<compile_context>
chip_gen: v7x
topology: tpu7x:2x2x1
jax: 0.10.2.dev20260603
libtpu: 0.0.44.dev20260713+nightly
codegen_flags: <defaults>
</compile_context>

<pallas_src>
import dataclasses
import functools

import jax
import jax.numpy as jnp
from jax import lax
from jax.experimental import pallas as pl
from jax.experimental.pallas import tpu as pltpu
from jax.experimental.pallas import tpu_sc as plsc

NUM_CORES = 2
NUM_SUBCORES = 16
NUM_WORKERS = NUM_CORES * NUM_SUBCORES
LANES = 16
IDX_ROW = 128


def kernel(item_ids, context_ids, user_emb, item_emb, user_bias, item_bias):
    batch = item_ids.shape[0]
    dim = user_emb.shape[1]
    bpw = batch // NUM_WORKERS
    n_chunks = bpw // IDX_ROW

    ii = item_ids.astype(jnp.int32).reshape(NUM_WORKERS * n_chunks, IDX_ROW)
    ci = context_ids.astype(jnp.int32).reshape(NUM_WORKERS * n_chunks, IDX_ROW)
    ub = user_bias.reshape(-1)
    ib = item_bias.reshape(-1)

    mesh = plsc.VectorSubcoreMesh(core_axis_name="c", subcore_axis_name="s")
    cp = pltpu.CompilerParams()
    if "needs_layout_passes" in pltpu.CompilerParams.__dataclass_fields__:
        cp = dataclasses.replace(cp, needs_layout_passes=False)
    if "use_tc_tiling_on_sc" in pltpu.CompilerParams.__dataclass_fields__:
        cp = dataclasses.replace(cp, use_tc_tiling_on_sc=False)

    @functools.partial(
        pl.kernel,
        out_type=jax.ShapeDtypeStruct((batch,), jnp.float32),
        mesh=mesh,
        compiler_params=cp,
        scratch_types=[
            pltpu.VMEM((n_chunks, IDX_ROW), jnp.int32),
            pltpu.VMEM((n_chunks, IDX_ROW), jnp.int32),
            pltpu.VMEM((bpw, dim), jnp.float32),
            pltpu.VMEM((bpw, dim), jnp.float32),
            pltpu.VMEM((bpw,), jnp.float32),
            pltpu.VMEM((bpw,), jnp.float32),
            pltpu.VMEM((bpw,), jnp.float32),
            pltpu.VMEM((LANES * LANES,), jnp.float32),
            pltpu.SemaphoreType.DMA,
        ],
    )
    def glove_kernel(ii_hbm, ci_hbm, ue_hbm, ie_hbm, ub_hbm, ib_hbm, out_hbm,
                     idx_u, idx_i, rows_u, rows_i, bias_u, bias_i, out_v,
                     tr_buf, sem):
        wid = lax.axis_index("s") * NUM_CORES + lax.axis_index("c")
        base = wid * bpw

        pltpu.sync_copy(ii_hbm.at[pl.ds(wid * n_chunks, n_chunks)], idx_u)
        pltpu.sync_copy(ci_hbm.at[pl.ds(wid * n_chunks, n_chunks)], idx_i)

        copies = []
        for j in range(n_chunks):
            copies.append(pltpu.async_copy(
                ue_hbm.at[idx_u.at[j]], rows_u.at[pl.ds(j * IDX_ROW, IDX_ROW)], sem))
            copies.append(pltpu.async_copy(
                ie_hbm.at[idx_i.at[j]], rows_i.at[pl.ds(j * IDX_ROW, IDX_ROW)], sem))
            copies.append(pltpu.async_copy(
                ub_hbm.at[idx_u.at[j]], bias_u.at[pl.ds(j * IDX_ROW, IDX_ROW)], sem))
            copies.append(pltpu.async_copy(
                ib_hbm.at[idx_i.at[j]], bias_i.at[pl.ds(j * IDX_ROW, IDX_ROW)], sem))
        for c in copies:
            c.wait()

        lane_iota = lax.iota(jnp.int32, LANES)

        @pl.loop(0, bpw, step=LANES)
        def _(blk):
            for r16 in range(LANES):
                acc = (rows_u[blk + r16, pl.ds(0, LANES)]
                       * rows_i[blk + r16, pl.ds(0, LANES)])
                for c in range(LANES, dim, LANES):
                    acc = acc + (rows_u[blk + r16, pl.ds(c, LANES)]
                                 * rows_i[blk + r16, pl.ds(c, LANES)])
                plsc.store_scatter(tr_buf, [lane_iota * LANES + r16], acc)
            s = bias_u[pl.ds(blk, LANES)] + bias_i[pl.ds(blk, LANES)]
            for l in range(LANES):
                s = s + tr_buf[pl.ds(l * LANES, LANES)]
            out_v[pl.ds(blk, LANES)] = s

        pltpu.sync_copy(out_v, out_hbm.at[pl.ds(base, bpw)])

    return glove_kernel(ii, ci, user_emb, item_emb, ub, ib)

# --- scband reference (transcript-rebuilt; emitter-appended) ---
"""Pipeline reference for scband-glove-74612171866278 (READ-ONLY COPY).

The authoritative reference and input builder live on the scoring server;
editing this copy changes nothing except your own understanding.
"""

import jax, jax.numpy as jnp
import numpy as np

N_USERS = 1000000
N_ITEMS = 1000000
EMB_DIM = 64
BATCH = 16384


def setup_inputs(seed: int = 0) -> dict:
    key = jax.random.key(seed)
    k1, k2, k3, k4, k5, k6 = jax.random.split(key, 6)
    item_ids = jax.random.randint(k1, (BATCH,), 0, N_USERS, dtype=jnp.int64 if jax.config.jax_enable_x64 else jnp.int32)
    context_ids = jax.random.randint(k2, (BATCH,), 0, N_ITEMS, dtype=jnp.int64 if jax.config.jax_enable_x64 else jnp.int32)
    user_emb = jax.random.normal(k3, (N_USERS, EMB_DIM), dtype=jnp.float32) * 0.02
    item_emb = jax.random.normal(k4, (N_ITEMS, EMB_DIM), dtype=jnp.float32) * 0.02
    user_bias = jax.random.normal(k5, (N_USERS, 1), dtype=jnp.float32) * 0.02
    item_bias = jax.random.normal(k6, (N_ITEMS, 1), dtype=jnp.float32) * 0.02
    return {
        "item_ids": item_ids,
        "context_ids": context_ids,
        "user_emb": user_emb,
        "item_emb": item_emb,
        "user_bias": user_bias,
        "item_bias": item_bias,
    }


def reference(item_ids, context_ids, user_emb, item_emb, user_bias, item_bias):
    # Dropout is identity in eval/inference mode.
    user_z = jnp.take(user_emb, item_ids, axis=0)          # [B, D]
    item_z = jnp.take(item_emb, context_ids, axis=0)       # [B, D]
    user_b = jnp.take(user_bias, item_ids, axis=0)[:, 0]   # [B]
    item_b = jnp.take(item_bias, context_ids, axis=0)[:, 0]  # [B]
    dot = jnp.sum(user_z * item_z, axis=1)                 # [B]
    z = dot + user_b + item_b
    return z

if __name__ == "__main__":
    import jax
    _d = setup_inputs()
    print(jax.jit(kernel)(*tuple(_d.values())))

</pallas_src>

<mosaic_0001>
#map = affine_map<(d0, d1) -> (0, 0)>
#map1 = affine_map<(d0, d1) -> (0)>
module attributes {stable_mosaic.version = 14 : i64} {
  func.func @glove_kernel(%arg0: i32, %arg1: i32, %arg2: memref<128x128xi32, #tpu.memory_space<hbm>>, %arg3: memref<128x128xi32, #tpu.memory_space<hbm>>, %arg4: memref<1000000x64xf32, #tpu.memory_space<hbm>>, %arg5: memref<1000000x64xf32, #tpu.memory_space<hbm>>, %arg6: memref<1000000xf32, #tpu.memory_space<hbm>>, %arg7: memref<1000000xf32, #tpu.memory_space<hbm>>, %arg8: memref<16384xf32, #tpu.memory_space<hbm>>, %arg9: memref<4x128xi32, #tpu.memory_space<vmem>>, %arg10: memref<4x128xi32, #tpu.memory_space<vmem>>, %arg11: memref<512x64xf32, #tpu.memory_space<vmem>>, %arg12: memref<512x64xf32, #tpu.memory_space<vmem>>, %arg13: memref<512xf32, #tpu.memory_space<vmem>>, %arg14: memref<512xf32, #tpu.memory_space<vmem>>, %arg15: memref<512xf32, #tpu.memory_space<vmem>>, %arg16: memref<256xf32, #tpu.memory_space<vmem>>, %arg17: memref<!tpu.dma_semaphore, #tpu.memory_space<semaphore_mem>>) attributes {dimension_semantics = [#tpu.dimension_semantics<core_parallel>, #tpu.dimension_semantics<subcore_parallel>], iteration_bounds = array<i64: 2, 16>, scalar_prefetch = 0 : i64, scratch_operands = 9 : i64, tpu.core_type = #tpu.core_type<sc_vector_subcore>, window_params = [{transform_indices = #map}, {transform_indices = #map}, {transform_indices = #map}, {transform_indices = #map}, {transform_indices = #map1}, {transform_indices = #map1}, {transform_indices = #map1}]} {
    %mul3A = arith.constant 2 : i32
    %mul3A_0 = arith.muli %arg1, %mul3A : i32
    %add3A = arith.addi %mul3A_0, %arg0 : i32
    %mul3A_1 = arith.constant 512 : i32
    %mul3A_2 = arith.muli %add3A, %mul3A_1 : i32
    %mul3A_3 = arith.constant 4 : i32
    %mul3A_4 = arith.muli %add3A, %mul3A_3 : i32
    "tpu.region"() ({
      %run_scoped3A = tpu.sem_alloc : memref<!tpu.dma_semaphore, #tpu.memory_space<semaphore_mem>>
      %dma_start3A_297 = arith.constant 0 : i32
      %dma_start3A_298 = tpu.memref_slice %arg2[%mul3A_4, %dma_start3A_297] : memref<128x128xi32, #tpu.memory_space<hbm>> -> memref<4x128xi32, #tpu.memory_space<hbm>>
      %dma_start3A_299 = arith.constant 0 : i32
      %dma_start3A_300 = tpu.memref_slice %arg2[%mul3A_4, %dma_start3A_299] : memref<128x128xi32, #tpu.memory_space<hbm>> -> memref<4x128xi32, #tpu.memory_space<hbm>>
      tpu.enqueue_dma source(%dma_start3A_300 : memref<4x128xi32, #tpu.memory_space<hbm>>) target(%arg9 : memref<4x128xi32, #tpu.memory_space<vmem>>) target_semaphore(%run_scoped3A : memref<!tpu.dma_semaphore, #tpu.memory_space<semaphore_mem>>)
      %dma_wait3A_301 = arith.constant 0 : i32
      %dma_wait3A_302 = tpu.memref_slice %arg2[%mul3A_4, %dma_wait3A_301] : memref<128x128xi32, #tpu.memory_space<hbm>> -> memref<4x128xi32, #tpu.memory_space<hbm>>
      %dma_wait3A_303 = arith.constant 0 : i32
      %dma_wait3A_304 = tpu.memref_slice %arg2[%mul3A_4, %dma_wait3A_303] : memref<128x128xi32, #tpu.memory_space<hbm>> -> memref<4x128xi32, #tpu.memory_space<hbm>>
      tpu.wait_dma2 semaphore(%run_scoped3A : memref<!tpu.dma_semaphore, #tpu.memory_space<semaphore_mem>>) src(%dma_wait3A_304 : memref<4x128xi32, #tpu.memory_space<hbm>>) dst(%arg9 : memref<4x128xi32, #tpu.memory_space<vmem>>)
      tpu.yield
    }) : () -> ()
    %mul3A_5 = arith.constant 4 : i32
    %mul3A_6 = arith.muli %add3A, %mul3A_5 : i32
    "tpu.region"() ({
      %run_scoped3A = tpu.sem_alloc : memref<!tpu.dma_semaphore, #tpu.memory_space<semaphore_mem>>
      %dma_start3A_297 = arith.constant 0 : i32
      %dma_start3A_298 = tpu.memref_slice %arg3[%mul3A_6, %dma_start3A_297] : memref<128x128xi32, #tpu.memory_space<hbm>> -> memref<4x128xi32, #tpu.memory_space<hbm>>
      %dma_start3A_299 = arith.constant 0 : i32
      %dma_start3A_300 = tpu.memref_slice %arg3[%mul3A_6, %dma_start3A_299] : memref<128x128xi32, #tpu.memory_space<hbm>> -> memref<4x128xi32, #tpu.memory_space<hbm>>
      tpu.enqueue_dma source(%dma_start3A_300 : memref<4x128xi32, #tpu.memory_space<hbm>>) target(%arg10 : memref<4x128xi32, #tpu.memory_space<vmem>>) target_semaphore(%run_scoped3A : memref<!tpu.dma_semaphore, #tpu.memory_space<semaphore_mem>>)
      %dma_wait3A_301 = arith.constant 0 : i32
      %dma_wait3A_302 = tpu.memref_slice %arg3[%mul3A_6, %dma_wait3A_301] : memref<128x128xi32, #tpu.memory_space<hbm>> -> memref<4x128xi32, #tpu.memory_space<hbm>>
      %dma_wait3A_303 = arith.constant 0 : i32
      %dma_wait3A_304 = tpu.memref_slice %arg3[%mul3A_6, %dma_wait3A_303] : memref<128x128xi32, #tpu.memory_space<hbm>> -> memref<4x128xi32, #tpu.memory_space<hbm>>
      tpu.wait_dma2 semaphore(%run_scoped3A : memref<!tpu.dma_semaphore, #tpu.memory_space<semaphore_mem>>) src(%dma_wait3A_304 : memref<4x128xi32, #tpu.memory_space<hbm>>) dst(%arg10 : memref<4x128xi32, #tpu.memory_space<vmem>>)
      tpu.yield
    }) : () -> ()
    %dma_start3A = arith.constant 0 : i32
    %dma_start3A_7 = arith.constant 0 : i32
    %dma_start3A_8 = arith.constant 0 : i32
    %dma_start3A_9 = tpu.memref_slice %arg11[%dma_start3A_7, %dma_start3A_8] : memref<512x64xf32, #tpu.memory_space<vmem>> -> memref<128x64xf32, #tpu.memory_space<vmem>>
    %dma_start3A_10 = arith.constant 0 : i32
    %dma_start3A_11 = tpu.memref_slice %arg9[%dma_start3A, %dma_start3A_10] : memref<4x128xi32, #tpu.memory_space<vmem>> -> memref<1x128xi32, #tpu.memory_space<vmem>>
    %dma_start3A_12 = tpu.memref_squeeze %dma_start3A_11 : memref<1x128xi32, #tpu.memory_space<vmem>> -> memref<128xi32, #tpu.memory_space<vmem>>
    %dma_start3A_13 = arith.constant 0 : i32
    %dma_start3A_14 = arith.constant 0 : i32
    %dma_start3A_15 = tpu.memref_slice %arg4[%dma_start3A_13, %dma_start3A_14] : memref<1000000x64xf32, #tpu.memory_space<hbm>> -> memref<1000000x64xf32, #tpu.memory_space<hbm>>
    tpu.enqueue_indirect_dma source(%dma_start3A_15 : memref<1000000x64xf32, #tpu.memory_space<hbm>>) target(%dma_start3A_9 : memref<128x64xf32, #tpu.memory_space<vmem>>) offsets(%dma_start3A_12 : memref<128xi32, #tpu.memory_space<vmem>>) semaphore(%arg17 : memref<!tpu.dma_semaphore, #tpu.memory_space<semaphore_mem>>)
    %dma_start3A_16 = arith.constant 0 : i32
    %dma_start3A_17 = arith.constant 0 : i32
    %dma_start3A_18 = arith.constant 0 : i32
    %dma_start3A_19 = tpu.memref_slice %arg12[%dma_start3A_17, %dma_start3A_18] : memref<512x64xf32, #tpu.memory_space<vmem>> -> memref<128x64xf32, #tpu.memory_space<vmem>>
    %dma_start3A_20 = arith.constant 0 : i32
    %dma_start3A_21 = tpu.memref_slice %arg10[%dma_start3A_16, %dma_start3A_20] : memref<4x128xi32, #tpu.memory_space<vmem>> -> memref<1x128xi32, #tpu.memory_space<vmem>>
    %dma_start3A_22 = tpu.memref_squeeze %dma_start3A_21 : memref<1x128xi32, #tpu.memory_space<vmem>> -> memref<128xi32, #tpu.memory_space<vmem>>
    %dma_start3A_23 = arith.constant 0 : i32
    %dma_start3A_24 = arith.constant 0 : i32
    %dma_start3A_25 = tpu.memref_slice %arg5[%dma_start3A_23, %dma_start3A_24] : memref<1000000x64xf32, #tpu.memory_space<hbm>> -> memref<1000000x64xf32, #tpu.memory_space<hbm>>
    tpu.enqueue_indirect_dma source(%dma_start3A_25 : memref<1000000x64xf32, #tpu.memory_space<hbm>>) target(%dma_start3A_19 : memref<128x64xf32, #tpu.memory_space<vmem>>) offsets(%dma_start3A_22 : memref<128xi32, #tpu.memory_space<vmem>>) semaphore(%arg17 : memref<!tpu.dma_semaphore, #tpu.memory_space<semaphore_mem>>)
    %dma_start3A_26 = arith.constant 0 : i32
    %dma_start3A_27 = arith.constant 0 : i32
    %dma_start3A_28 = tpu.memref_slice %arg13[%dma_start3A_27] : memref<512xf32, #tpu.memory_space<vmem>> -> memref<128xf32, #tpu.memory_space<vmem>>
    %dma_start3A_29 = arith.constant 0 : i32
    %dma_start3A_30 = tpu.memref_slice %arg9[%dma_start3A_26, %dma_start3A_29] : memref<4x128xi32, #tpu.memory_space<vmem>> -> memref<1x128xi32, #tpu.memory_space<vmem>>
    %dma_start3A_31 = tpu.memref_squeeze %dma_start3A_30 : memref<1x128xi32, #tpu.memory_space<vmem>> -> memref<128xi32, #tpu.memory_space<vmem>>
    %dma_start3A_32 = arith.constant 0 : i32
    %dma_start3A_33 = tpu.memref_slice %arg6[%dma_start3A_32] : memref<1000000xf32, #tpu.memory_space<hbm>> -> memref<1000000xf32, #tpu.memory_space<hbm>>
    tpu.enqueue_indirect_dma source(%dma_start3A_33 : memref<1000000xf32, #tpu.memory_space<hbm>>) target(%dma_start3A_28 : memref<128xf32, #tpu.memory_space<vmem>>) offsets(%dma_start3A_31 : memref<128xi32, #tpu.memory_space<vmem>>) semaphore(%arg17 : memref<!tpu.dma_semaphore, #tpu.memory_space<semaphore_mem>>)
    %dma_start3A_34 = arith.constant 0 : i32
    %dma_start3A_35 = arith.constant 0 : i32
    %dma_start3A_36 = tpu.memref_slice %arg14[%dma_start3A_35] : memref<512xf32, #tpu.memory_space<vmem>> -> memref<128xf32, #tpu.memory_space<vmem>>
    %dma_start3A_37 = arith.constant 0 : i32
    %dma_start3A_38 = tpu.memref_slice %arg10[%dma_start3A_34, %dma_start3A_37] : memref<4x128xi32, #tpu.memory_space<vmem>> -> memref<1x128xi32, #tpu.memory_space<vmem>>
    %dma_start3A_39 = tpu.memref_squeeze %dma_start3A_38 : memref<1x128xi32, #tpu.memory_space<vmem>> -> memref<128xi32, #tpu.memory_space<vmem>>
    %dma_start3A_40 = arith.constant 0 : i32
    %dma_start3A_41 = tpu.memref_slice %arg7[%dma_start3A_40] : memref<1000000xf32, #tpu.memory_space<hbm>> -> memref<1000000xf32, #tpu.memory_space<hbm>>
    tpu.enqueue_indirect_dma source(%dma_start3A_41 : memref<1000000xf32, #tpu.memory_space<hbm>>) target(%dma_start3A_36 : memref<128xf32, #tpu.memory_space<vmem>>) offsets(%dma_start3A_39 : memref<128xi32, #tpu.memory_space<vmem>>) semaphore(%arg17 : memref<!tpu.dma_semaphore, #tpu.memory_space<semaphore_mem>>)
    %dma_start3A_42 = arith.constant 1 : i32
    %dma_start3A_43 = arith.constant 128 : i32
    %dma_start3A_44 = arith.constant 0 : i32
    %dma_start3A_45 = tpu.memref_slice %arg11[%dma_start3A_43, %dma_start3A_44] : memref<512x64xf32, #tpu.memory_space<vmem>> -> memref<128x64xf32, #tpu.memory_space<vmem>>
    %dma_start3A_46 = arith.constant 0 : i32
    %dma_start3A_47 = tpu.memref_slice %arg9[%dma_start3A_42, %dma_start3A_46] : memref<4x128xi32, #tpu.memory_space<vmem>> -> memref<1x128xi32, #tpu.memory_space<vmem>>
    %dma_start3A_48 = tpu.memref_squeeze %dma_start3A_47 : memref<1x128xi32, #tpu.memory_space<vmem>> -> memref<128xi32, #tpu.memory_space<vmem>>
    %dma_start3A_49 = arith.constant 0 : i32
    %dma_start3A_50 = arith.constant 0 : i32
    %dma_start3A_51 = tpu.memref_slice %arg4[%dma_start3A_49, %dma_start3A_50] : memref<1000000x64xf32, #tpu.memory_space<hbm>> -> memref<1000000x64xf32, #tpu.memory_space<hbm>>
    tpu.enqueue_indirect_dma source(%dma_start3A_51 : memref<1000000x64xf32, #tpu.memory_space<hbm>>) target(%dma_start3A_45 : memref<128x64xf32, #tpu.memory_space<vmem>>) offsets(%dma_start3A_48 : memref<128xi32, #tpu.memory_space<vmem>>) semaphore(%arg17 : memref<!tpu.dma_semaphore, #tpu.memory_space<semaphore_mem>>)
    %dma_start3A_52 = arith.constant 1 : i32
    %dma_start3A_53 = arith.constant 128 : i32
    %dma_start3A_54 = arith.constant 0 : i32
    %dma_start3A_55 = tpu.memref_slice %arg12[%dma_start3A_53, %dma_start3A_54] : memref<512x64xf32, #tpu.memory_space<vmem>> -> memref<128x64xf32, #tpu.memory_space<vmem>>
    %dma_start3A_56 = arith.constant 0 : i32
    %dma_start3A_57 = tpu.memref_slice %arg10[%dma_start3A_52, %dma_start3A_56] : memref<4x128xi32, #tpu.memory_space<vmem>> -> memref<1x128xi32, #tpu.memory_space<vmem>>
    %dma_start3A_58 = tpu.memref_squeeze %dma_start3A_57 : memref<1x128xi32, #tpu.memory_space<vmem>> -> memref<128xi32, #tpu.memory_space<vmem>>
    %dma_start3A_59 = arith.constant 0 : i32
    %dma_start3A_60 = arith.constant 0 : i32
    %dma_start3A_61 = tpu.memref_slice %arg5[%dma_start3A_59, %dma_start3A_60] : memref<1000000x64xf32, #tpu.memory_space<hbm>> -> memref<1000000x64xf32, #tpu.memory_space<hbm>>
    tpu.enqueue_indirect_dma source(%dma_start3A_61 : memref<1000000x64xf32, #tpu.memory_space<hbm>>) target(%dma_start3A_55 : memref<128x64xf32, #tpu.memory_space<vmem>>) offsets(%dma_start3A_58 : memref<128xi32, #tpu.memory_space<vmem>>) semaphore(%arg17 : memref<!tpu.dma_semaphore, #tpu.memory_space<semaphore_mem>>)
    %dma_start3A_62 = arith.constant 1 : i32
    %dma_start3A_63 = arith.constant 128 : i32
    %dma_start3A_64 = tpu.memref_slice %arg13[%dma_start3A_63] : memref<512xf32, #tpu.memory_space<vmem>> -> memref<128xf32, #tpu.memory_space<vmem>>
    %dma_start3A_65 = arith.constant 0 : i32
    %dma_start3A_66 = tpu.memref_slice %arg9[%dma_start3A_62, %dma_start3A_65] : memref<4x128xi32, #tpu.memory_space<vmem>> -> memref<1x128xi32, #tpu.memory_space<vmem>>
    %dma_start3A_67 = tpu.memref_squeeze %dma_start3A_66 : memref<1x128xi32, #tpu.memory_space<vmem>> -> memref<128xi32, #tpu.memory_space<vmem>>
    %dma_start3A_68 = arith.constant 0 : i32
    %dma_start3A_69 = tpu.memref_slice %arg6[%dma_start3A_68] : memref<1000000xf32, #tpu.memory_space<hbm>> -> memref<1000000xf32, #tpu.memory_space<hbm>>
    tpu.enqueue_indirect_dma source(%dma_start3A_69 : memref<1000000xf32, #tpu.memory_space<hbm>>) target(%dma_start3A_64 : memref<128xf32, #tpu.memory_space<vmem>>) offsets(%dma_start3A_67 : memref<128xi32, #tpu.memory_space<vmem>>) semaphore(%arg17 : memref<!tpu.dma_semaphore, #tpu.memory_space<semaphore_mem>>)
    %dma_start3A_70 = arith.constant 1 : i32
    %dma_start3A_71 = arith.constant 128 : i32
    %dma_start3A_72 = tpu.memref_slice %arg14[%dma_start3A_71] : memref<512xf32, #tpu.memory_space<vmem>> -> memref<128xf32, #tpu.memory_space<vmem>>
    %dma_start3A_73 = arith.constant 0 : i32
    %dma_start3A_74 = tpu.memref_slice %arg10[%dma_start3A_70, %dma_start3A_73] : memref<4x128xi32, #tpu.memory_space<vmem>> -> memref<1x128xi32, #tpu.memory_space<vmem>>
    %dma_start3A_75 = tpu.memref_squeeze %dma_start3A_74 : memref<1x128xi32, #tpu.memory_space<vmem>> -> memref<128xi32, #tpu.memory_space<vmem>>
    %dma_start3A_76 = arith.constant 0 : i32
    %dma_start3A_77 = tpu.memref_slice %arg7[%dma_start3A_76] : memref<1000000xf32, #tpu.memory_space<hbm>> -> memref<1000000xf32, #tpu.memory_space<hbm>>
    tpu.enqueue_indirect_dma source(%dma_start3A_77 : memref<1000000xf32, #tpu.memory_space<hbm>>) target(%dma_start3A_72 : memref<128xf32, #tpu.memory_space<vmem>>) offsets(%dma_start3A_75 : memref<128xi32, #tpu.memory_space<vmem>>) semaphore(%arg17 : memref<!tpu.dma_semaphore, #tpu.memory_space<semaphore_mem>>)
    %dma_start3A_78 = arith.constant 2 : i32
    %dma_start3A_79 = arith.constant 256 : i32
    %dma_start3A_80 = arith.constant 0 : i32
    %dma_start3A_81 = tpu.memref_slice %arg11[%dma_start3A_79, %dma_start3A_80] : memref<512x64xf32, #tpu.memory_space<vmem>> -> memref<128x64xf32, #tpu.memory_space<vmem>>
    %dma_start3A_82 = arith.constant 0 : i32
    %dma_start3A_83 = tpu.memref_slice %arg9[%dma_start3A_78, %dma_start3A_82] : memref<4x128xi32, #tpu.memory_space<vmem>> -> memref<1x128xi32, #tpu.memory_space<vmem>>
    %dma_start3A_84 = tpu.memref_squeeze %dma_start3A_83 : memref<1x128xi32, #tpu.memory_space<vmem>> -> memref<128xi32, #tpu.memory_space<vmem>>
    %dma_start3A_85 = arith.constant 0 : i32
    %dma_start3A_86 = arith.constant 0 : i32
    %dma_start3A_87 = tpu.memref_slice %arg4[%dma_start3A_85, %dma_start3A_86] : memref<1000000x64xf32, #tpu.memory_space<hbm>> -> memref<1000000x64xf32, #tpu.memory_space<hbm>>
    tpu.enqueue_indirect_dma source(%dma_start3A_87 : memref<1000000x64xf32, #tpu.memory_space<hbm>>) target(%dma_start3A_81 : memref<128x64xf32, #tpu.memory_space<vmem>>) offsets(%dma_start3A_84 : memref<128xi32, #tpu.memory_space<vmem>>) semaphore(%arg17 : memref<!tpu.dma_semaphore, #tpu.memory_space<semaphore_mem>>)
    %dma_start3A_88 = arith.constant 2 : i32
    %dma_start3A_89 = arith.constant 256 : i32
    %dma_start3A_90 = arith.constant 0 : i32
    %dma_start3A_91 = tpu.memref_slice %arg12[%dma_start3A_89, %dma_start3A_90] : memref<512x64xf32, #tpu.memory_space<vmem>> -> memref<128x64xf32, #tpu.memory_space<vmem>>
    %dma_start3A_92 = arith.constant 0 : i32
    %dma_start3A_93 = tpu.memref_slice %arg10[%dma_start3A_88, %dma_start3A_92] : memref<4x128xi32, #tpu.memory_space<vmem>> -> memref<1x128xi32, #tpu.memory_space<vmem>>
    %dma_start3A_94 = tpu.memref_squeeze %dma_start3A_93 : memref<1x128xi32, #tpu.memory_space<vmem>> -> memref<128xi32, #tpu.memory_space<vmem>>
    %dma_start3A_95 = arith.constant 0 : i32
    %dma_start3A_96 = arith.constant 0 : i32
    %dma_start3A_97 = tpu.memref_slice %arg5[%dma_start3A_95, %dma_start3A_96] : memref<1000000x64xf32, #tpu.memory_space<hbm>> -> memref<1000000x64xf32, #tpu.memory_space<hbm>>
    tpu.enqueue_indirect_dma source(%dma_start3A_97 : memref<1000000x64xf32, #tpu.memory_space<hbm>>) target(%dma_start3A_91 : memref<128x64xf32, #tpu.memory_space<vmem>>) offsets(%dma_start3A_94 : memref<128xi32, #tpu.memory_space<vmem>>) semaphore(%arg17 : memref<!tpu.dma_semaphore, #tpu.memory_space<semaphore_mem>>)
    %dma_start3A_98 = arith.constant 2 : i32
    %dma_start3A_99 = arith.constant 256 : i32
    %dma_start3A_100 = tpu.memref_slice %arg13[%dma_start3A_99] : memref<512xf32, #tpu.memory_space<vmem>> -> memref<128xf32, #tpu.memory_space<vmem>>
    %dma_start3A_101 = arith.constant 0 : i32
    %dma_start3A_102 = tpu.memref_slice %arg9[%dma_start3A_98, %dma_start3A_101] : memref<4x128xi32, #tpu.memory_space<vmem>> -> memref<1x128xi32, #tpu.memory_space<vmem>>
    %dma_start3A_103 = tpu.memref_squeeze %dma_start3A_102 : memref<1x128xi32, #tpu.memory_space<vmem>> -> memref<128xi32, #tpu.memory_space<vmem>>
    %dma_start3A_104 = arith.constant 0 : i32
    %dma_start3A_105 = tpu.memref_slice %arg6[%dma_start3A_104] : memref<1000000xf32, #tpu.memory_space<hbm>> -> memref<1000000xf32, #tpu.memory_space<hbm>>
    tpu.enqueue_indirect_dma source(%dma_start3A_105 : memref<1000000xf32, #tpu.memory_space<hbm>>) target(%dma_start3A_100 : memref<128xf32, #tpu.memory_space<vmem>>) offsets(%dma_start3A_103 : memref<128xi32, #tpu.memory_space<vmem>>) semaphore(%arg17 : memref<!tpu.dma_semaphore, #tpu.memory_space<semaphore_mem>>)
    %dma_start3A_106 = arith.constant 2 : i32
    %dma_start3A_107 = arith.constant 256 : i32
    %dma_start3A_108 = tpu.memref_slice %arg14[%dma_start3A_107] : memref<512xf32, #tpu.memory_space<vmem>> -> memref<128xf32, #tpu.memory_space<vmem>>
    %dma_start3A_109 = arith.constant 0 : i32
    %dma_start3A_110 = tpu.memref_slice %arg10[%dma_start3A_106, %dma_start3A_109] : memref<4x128xi32, #tpu.memory_space<vmem>> -> memref<1x128xi32, #tpu.memory_space<vmem>>
    %dma_start3A_111 = tpu.memref_squeeze %dma_start3A_110 : memref<1x128xi32, #tpu.memory_space<vmem>> -> memref<128xi32, #tpu.memory_space<vmem>>
    %dma_start3A_112 = arith.constant 0 : i32
    %dma_start3A_113 = tpu.memref_slice %arg7[%dma_start3A_112] : memref<1000000xf32, #tpu.memory_space<hbm>> -> memref<1000000xf32, #tpu.memory_space<hbm>>
    tpu.enqueue_indirect_dma source(%dma_start3A_113 : memref<1000000xf32, #tpu.memory_space<hbm>>) target(%dma_start3A_108 : memref<128xf32, #tpu.memory_space<vmem>>) offsets(%dma_start3A_111 : memref<128xi32, #tpu.memory_space<vmem>>) semaphore(%arg17 : memref<!tpu.dma_semaphore, #tpu.memory_space<semaphore_mem>>)
    %dma_start3A_114 = arith.constant 3 : i32
    %dma_start3A_115 = arith.constant 384 : i32
    %dma_start3A_116 = arith.constant 0 : i32
    %dma_start3A_117 = tpu.memref_slice %arg11[%dma_start3A_115, %dma_start3A_116] : memref<512x64xf32, #tpu.memory_space<vmem>> -> memref<128x64xf32, #tpu.memory_space<vmem>>
    %dma_start3A_118 = arith.constant 0 : i32
    %dma_start3A_119 = tpu.memref_slice %arg9[%dma_start3A_114, %dma_start3A_118] : memref<4x128xi32, #tpu.memory_space<vmem>> -> memref<1x128xi32, #tpu.memory_space<vmem>>
    %dma_start3A_120 = tpu.memref_squeeze %dma_start3A_119 : memref<1x128xi32, #tpu.memory_space<vmem>> -> memref<128xi32, #tpu.memory_space<vmem>>
    %dma_start3A_121 = arith.constant 0 : i32
    %dma_start3A_122 = arith.constant 0 : i32
    %dma_start3A_123 = tpu.memref_slice %arg4[%dma_start3A_121, %dma_start3A_122] : memref<1000000x64xf32, #tpu.memory_space<hbm>> -> memref<1000000x64xf32, #tpu.memory_space<hbm>>
    tpu.enqueue_indirect_dma source(%dma_start3A_123 : memref<1000000x64xf32, #tpu.memory_space<hbm>>) target(%dma_start3A_117 : memref<128x64xf32, #tpu.memory_space<vmem>>) offsets(%dma_start3A_120 : memref<128xi32, #tpu.memory_space<vmem>>) semaphore(%arg17 : memref<!tpu.dma_semaphore, #tpu.memory_space<semaphore_mem>>)
    %dma_start3A_124 = arith.constant 3 : i32
    %dma_start3A_125 = arith.constant 384 : i32
    %dma_start3A_126 = arith.constant 0 : i32
    %dma_start3A_127 = tpu.memref_slice %arg12[%dma_start3A_125, %dma_start3A_126] : memref<512x64xf32, #tpu.memory_space<vmem>> -> memref<128x64xf32, #tpu.memory_space<vmem>>
    %dma_start3A_128 = arith.constant 0 : i32
    %dma_start3A_129 = tpu.memref_slice %arg10[%dma_start3A_124, %dma_start3A_128] : memref<4x128xi32, #tpu.memory_space<vmem>> -> memref<1x128xi32, #tpu.memory_space<vmem>>
    %dma_start3A_130 = tpu.memref_squeeze %dma_start3A_129 : memref<1x128xi32, #tpu.memory_space<vmem>> -> memref<128xi32, #tpu.memory_space<vmem>>
    %dma_start3A_131 = arith.constant 0 : i32
    %dma_start3A_132 = arith.constant 0 : i32
    %dma_start3A_133 = tpu.memref_slice %arg5[%dma_start3A_131, %dma_start3A_132] : memref<1000000x64xf32, #tpu.memory_space<hbm>> -> memref<1000000x64xf32, #tpu.memory_space<hbm>>
    tpu.enqueue_indirect_dma source(%dma_start3A_133 : memref<1000000x64xf32, #tpu.memory_space<hbm>>) target(%dma_start3A_127 : memref<128x64xf32, #tpu.memory_space<vmem>>) offsets(%dma_start3A_130 : memref<128xi32, #tpu.memory_space<vmem>>) semaphore(%arg17 : memref<!tpu.dma_semaphore, #tpu.memory_space<semaphore_mem>>)
    %dma_start3A_134 = arith.constant 3 : i32
    %dma_start3A_135 = arith.constant 384 : i32
    %dma_start3A_136 = tpu.memref_slice %arg13[%dma_start3A_135] : memref<512xf32, #tpu.memory_space<vmem>> -> memref<128xf32, #tpu.memory_space<vmem>>
    %dma_start3A_137 = arith.constant 0 : i32
    %dma_start3A_138 = tpu.memref_slice %arg9[%dma_start3A_134, %dma_start3A_137] : memref<4x128xi32, #tpu.memory_space<vmem>> -> memref<1x128xi32, #tpu.memory_space<vmem>>
    %dma_start3A_139 = tpu.memref_squeeze %dma_start3A_138 : memref<1x128xi32, #tpu.memory_space<vmem>> -> memref<128xi32, #tpu.memory_space<vmem>>
    %dma_start3A_140 = arith.constant 0 : i32
    %dma_start3A_141 = tpu.memref_slice %arg6[%dma_start3A_140] : memref<1000000xf32, #tpu.memory_space<hbm>> -> memref<1000000xf32, #tpu.memory_space<hbm>>
    tpu.enqueue_indirect_dma source(%dma_start3A_141 : memref<1000000xf32, #tpu.memory_space<hbm>>) target(%dma_start3A_136 : memref<128xf32, #tpu.memory_space<vmem>>) offsets(%dma_start3A_139 : memref<128xi32, #tpu.memory_space<vmem>>) semaphore(%arg17 : memref<!tpu.dma_semaphore, #tpu.memory_space<semaphore_mem>>)
    %dma_start3A_142 = arith.constant 3 : i32
    %dma_start3A_143 = arith.constant 384 : i32
    %dma_start3A_144 = tpu.memref_slice %arg14[%dma_start3A_143] : memref<512xf32, #tpu.memory_space<vmem>> -> memref<128xf32, #tpu.memory_space<vmem>>
    %dma_start3A_145 = arith.constant 0 : i32
    %dma_start3A_146 = tpu.memref_slice %arg10[%dma_start3A_142, %dma_start3A_145] : memref<4x128xi32, #tpu.memory_space<vmem>> -> memref<1x128xi32, #tpu.memory_space<vmem>>
    %dma_start3A_147 = tpu.memref_squeeze %dma_start3A_146 : memref<1x128xi32, #tpu.memory_space<vmem>> -> memref<128xi32, #tpu.memory_space<vmem>>
    %dma_start3A_148 = arith.constant 0 : i32
    %dma_start3A_149 = tpu.memref_slice %arg7[%dma_start3A_148] : memref<1000000xf32, #tpu.memory_space<hbm>> -> memref<1000000xf32, #tpu.memory_space<hbm>>
    tpu.enqueue_indirect_dma source(%dma_start3A_149 : memref<1000000xf32, #tpu.memory_space<hbm>>) target(%dma_start3A_144 : memref<128xf32, #tpu.memory_space<vmem>>) offsets(%dma_start3A_147 : memref<128xi32, #tpu.memory_space<vmem>>) semaphore(%arg17 : memref<!tpu.dma_semaphore, #tpu.memory_space<semaphore_mem>>)
    %dma_wait3A = arith.constant 0 : i32
    %dma_wait3A_150 = arith.constant 0 : i32
    %dma_wait3A_151 = arith.constant 0 : i32
    %dma_wait3A_152 = tpu.memref_slice %arg11[%dma_wait3A_150, %dma_wait3A_151] : memref<512x64xf32, #tpu.memory_space<vmem>> -> memref<128x64xf32, #tpu.memory_space<vmem>>
    %dma_wait3A_153 = arith.constant 0 : i32
    %dma_wait3A_154 = tpu.memref_slice %arg9[%dma_wait3A, %dma_wait3A_153] : memref<4x128xi32, #tpu.memory_space<vmem>> -> memref<1x128xi32, #tpu.memory_space<vmem>>
    %dma_wait3A_155 = tpu.memref_squeeze %dma_wait3A_154 : memref<1x128xi32, #tpu.memory_space<vmem>> -> memref<128xi32, #tpu.memory_space<vmem>>
    %dma_wait3A_156 = arith.constant 0 : i32
    %dma_wait3A_157 = arith.constant 0 : i32
    %dma_wait3A_158 = tpu.memref_slice %arg4[%dma_wait3A_156, %dma_wait3A_157] : memref<1000000x64xf32, #tpu.memory_space<hbm>> -> memref<1000000x64xf32, #tpu.memory_space<hbm>>
    tpu.wait_indirect_dma semaphore(%arg17 : memref<!tpu.dma_semaphore, #tpu.memory_space<semaphore_mem>>) src(%dma_wait3A_158 : memref<1000000x64xf32, #tpu.memory_space<hbm>>) dst(%dma_wait3A_152 : memref<128x64xf32, #tpu.memory_space<vmem>>)
    %dma_wait3A_159 = arith.constant 0 : i32
    %dma_wait3A_160 = arith.constant 0 : i32
    %dma_wait3A_161 = arith.constant 0 : i32
    %dma_wait3A_162 = tpu.memref_slice %arg12[%dma_wait3A_160, %dma_wait3A_161] : memref<512x64xf32, #tpu.memory_space<vmem>> -> memref<128x64xf32, #tpu.memory_space<vmem>>
    %dma_wait3A_163 = arith.constant 0 : i32
    %dma_wait3A_164 = tpu.memref_slice %arg10[%dma_wait3A_159, %dma_wait3A_163] : memref<4x128xi32, #tpu.memory_space<vmem>> -> memref<1x128xi32, #tpu.memory_space<vmem>>
    %dma_wait3A_165 = tpu.memref_squeeze %dma_wait3A_164 : memref<1x128xi32, #tpu.memory_space<vmem>> -> memref<128xi32, #tpu.memory_space<vmem>>
    %dma_wait3A_166 = arith.constant 0 : i32
    %dma_wait3A_167 = arith.constant 0 : i32
    %dma_wait3A_168 = tpu.memref_slice %arg5[%dma_wait3A_166, %dma_wait3A_167] : memref<1000000x64xf32, #tpu.memory_space<hbm>> -> memref<1000000x64xf32, #tpu.memory_space<hbm>>
    tpu.wait_indirect_dma semaphore(%arg17 : memref<!tpu.dma_semaphore, #tpu.memory_space<semaphore_mem>>) src(%dma_wait3A_168 : memref<1000000x64xf32, #tpu.memory_space<hbm>>) dst(%dma_wait3A_162 : memref<128x64xf32, #tpu.memory_space<vmem>>)
    %dma_wait3A_169 = arith.constant 0 : i32
    %dma_wait3A_170 = arith.constant 0 : i32
    %dma_wait3A_171 = tpu.memref_slice %arg13[%dma_wait3A_170] : memref<512xf32, #tpu.memory_space<vmem>> -> memref<128xf32, #tpu.memory_space<vmem>>
    %dma_wait3A_172 = arith.constant 0 : i32
    %dma_wait3A_173 = tpu.memref_slice %arg9[%dma_wait3A_169, %dma_wait3A_172] : memref<4x128xi32, #tpu.memory_space<vmem>> -> memref<1x128xi32, #tpu.memory_space<vmem>>
    %dma_wait3A_174 = tpu.memref_squeeze %dma_wait3A_173 : memref<1x128xi32, #tpu.memory_space<vmem>> -> memref<128xi32, #tpu.memory_space<vmem>>
    %dma_wait3A_175 = arith.constant 0 : i32
    %dma_wait3A_176 = tpu.memref_slice %arg6[%dma_wait3A_175] : memref<1000000xf32, #tpu.memory_space<hbm>> -> memref<1000000xf32, #tpu.memory_space<hbm>>
    tpu.wait_indirect_dma semaphore(%arg17 : memref<!tpu.dma_semaphore, #tpu.memory_space<semaphore_mem>>) src(%dma_wait3A_176 : memref<1000000xf32, #tpu.memory_space<hbm>>) dst(%dma_wait3A_171 : memref<128xf32, #tpu.memory_space<vmem>>)
    %dma_wait3A_177 = arith.constant 0 : i32
    %dma_wait3A_178 = arith.constant 0 : i32
    %dma_wait3A_179 = tpu.memref_slice %arg14[%dma_wait3A_178] : memref<512xf32, #tpu.memory_space<vmem>> -> memref<128xf32, #tpu.memory_space<vmem>>
    %dma_wait3A_180 = arith.constant 0 : i32
    %dma_wait3A_181 = tpu.memref_slice %arg10[%dma_wait3A_177, %dma_wait3A_180] : memref<4x128xi32, #tpu.memory_space<vmem>> -> memref<1x128xi32, #tpu.memory_space<vmem>>
    %dma_wait3A_182 = tpu.memref_squeeze %dma_wait3A_181 : memref<1x128xi32, #tpu.memory_space<vmem>> -> memref<128xi32, #tpu.memory_space<vmem>>
    %dma_wait3A_183 = arith.constant 0 : i32
    %dma_wait3A_184 = tpu.memref_slice %arg7[%dma_wait3A_183] : memref<1000000xf32, #tpu.memory_space<hbm>> -> memref<1000000xf32, #tpu.memory_space<hbm>>
    tpu.wait_indirect_dma semaphore(%arg17 : memref<!tpu.dma_semaphore, #tpu.memory_space<semaphore_mem>>) src(%dma_wait3A_184 : memref<1000000xf32, #tpu.memory_space<hbm>>) dst(%dma_wait3A_179 : memref<128xf32, #tpu.memory_space<vmem>>)
    %dma_wait3A_185 = arith.constant 1 : i32
    %dma_wait3A_186 = arith.constant 128 : i32
    %dma_wait3A_187 = arith.constant 0 : i32
    %dma_wait3A_188 = tpu.memref_slice %arg11[%dma_wait3A_186, %dma_wait3A_187] : memref<512x64xf32, #tpu.memory_space<vmem>> -> memref<128x64xf32, #tpu.memory_space<vmem>>
    %dma_wait3A_189 = arith.constant 0 : i32
    %dma_wait3A_190 = tpu.memref_slice %arg9[%dma_wait3A_185, %dma_wait3A_189] : memref<4x128xi32, #tpu.memory_space<vmem>> -> memref<1x128xi32, #tpu.memory_space<vmem>>
    %dma_wait3A_191 = tpu.memref_squeeze %dma_wait3A_190 : memref<1x128xi32, #tpu.memory_space<vmem>> -> memref<128xi32, #tpu.memory_space<vmem>>
    %dma_wait3A_192 = arith.constant 0 : i32
    %dma_wait3A_193 = arith.constant 0 : i32
    %dma_wait3A_194 = tpu.memref_slice %arg4[%dma_wait3A_192, %dma_wait3A_193] : memref<1000000x64xf32, #tpu.memory_space<hbm>> -> memref<1000000x64xf32, #tpu.memory_space<hbm>>
    tpu.wait_indirect_dma semaphore(%arg17 : memref<!tpu.dma_semaphore, #tpu.memory_space<semaphore_mem>>) src(%dma_wait3A_194 : memref<1000000x64xf32, #tpu.memory_space<hbm>>) dst(%dma_wait3A_188 : memref<128x64xf32, #tpu.memory_space<vmem>>)
    %dma_wait3A_195 = arith.constant 1 : i32
    %dma_wait3A_196 = arith.constant 128 : i32
    %dma_wait3A_197 = arith.constant 0 : i32
    %dma_wait3A_198 = tpu.memref_slice %arg12[%dma_wait3A_196, %dma_wait3A_197] : memref<512x64xf32, #tpu.memory_space<vmem>> -> memref<128x64xf32, #tpu.memory_space<vmem>>
    %dma_wait3A_199 = arith.constant 0 : i32
    %dma_wait3A_200 = tpu.memref_slice %arg10[%dma_wait3A_195, %dma_wait3A_199] : memref<4x128xi32, #tpu.memory_space<vmem>> -> memref<1x128xi32, #tpu.memory_space<vmem>>
    %dma_wait3A_201 = tpu.memref_squeeze %dma_wait3A_200 : memref<1x128xi32, #tpu.memory_space<vmem>> -> memref<128xi32, #tpu.memory_space<vmem>>
    %dma_wait3A_202 = arith.constant 0 : i32
    %dma_wait3A_203 = arith.constant 0 : i32
    %dma_wait3A_204 = tpu.memref_slice %arg5[%dma_wait3A_202, %dma_wait3A_203] : memref<1000000x64xf32, #tpu.memory_space<hbm>> -> memref<1000000x64xf32, #tpu.memory_space<hbm>>
    tpu.wait_indirect_dma semaphore(%arg17 : memref<!tpu.dma_semaphore, #tpu.memory_space<semaphore_mem>>) src(%dma_wait3A_204 : memref<1000000x64xf32, #tpu.memory_space<hbm>>) dst(%dma_wait3A_198 : memref<128x64xf32, #tpu.memory_space<vmem>>)
    %dma_wait3A_205 = arith.constant 1 : i32
    %dma_wait3A_206 = arith.constant 128 : i32
    %dma_wait3A_207 = tpu.memref_slice %arg13[%dma_wait3A_206] : memref<512xf32, #tpu.memory_space<vmem>> -> memref<128xf32, #tpu.memory_space<vmem>>
    %dma_wait3A_208 = arith.constant 0 : i32
    %dma_wait3A_209 = tpu.memref_slice %arg9[%dma_wait3A_205, %dma_wait3A_208] : memref<4x128xi32, #tpu.memory_space<vmem>> -> memref<1x128xi32, #tpu.memory_space<vmem>>
    %dma_wait3A_210 = tpu.memref_squeeze %dma_wait3A_209 : memref<1x128xi32, #tpu.memory_space<vmem>> -> memref<128xi32, #tpu.memory_space<vmem>>
    %dma_wait3A_211 = arith.constant 0 : i32
    %dma_wait3A_212 = tpu.memref_slice %arg6[%dma_wait3A_211] : memref<1000000xf32, #tpu.memory_space<hbm>> -> memref<1000000xf32, #tpu.memory_space<hbm>>
    tpu.wait_indirect_dma semaphore(%arg17 : memref<!tpu.dma_semaphore, #tpu.memory_space<semaphore_mem>>) src(%dma_wait3A_212 : memref<1000000xf32, #tpu.memory_space<hbm>>) dst(%dma_wait3A_207 : memref<128xf32, #tpu.memory_space<vmem>>)
    %dma_wait3A_213 = arith.constant 1 : i32
    %dma_wait3A_214 = arith.constant 128 : i32
    %dma_wait3A_215 = tpu.memref_slice %arg14[%dma_wait3A_214] : memref<512xf32, #tpu.memory_space<vmem>> -> memref<128xf32, #tpu.memory_space<vmem>>
    %dma_wait3A_216 = arith.constant 0 : i32
    %dma_wait3A_217 = tpu.memref_slice %arg10[%dma_wait3A_213, %dma_wait3A_216] : memref<4x128xi32, #tpu.memory_space<vmem>> -> memref<1x128xi32, #tpu.memory_space<vmem>>
    %dma_wait3A_218 = tpu.memref_squeeze %dma_wait3A_217 : memref<1x128xi32, #tpu.memory_space<vmem>> -> memref<128xi32, #tpu.memory_space<vmem>>
    %dma_wait3A_219 = arith.constant 0 : i32
    %dma_wait3A_220 = tpu.memref_slice %arg7[%dma_wait3A_219] : memref<1000000xf32, #tpu.memory_space<hbm>> -> memref<1000000xf32, #tpu.memory_space<hbm>>
    tpu.wait_indirect_dma semaphore(%arg17 : memref<!tpu.dma_semaphore, #tpu.memory_space<semaphore_mem>>) src(%dma_wait3A_220 : memref<1000000xf32, #tpu.memory_space<hbm>>) dst(%dma_wait3A_215 : memref<128xf32, #tpu.memory_space<vmem>>)
    %dma_wait3A_221 = arith.constant 2 : i32
    %dma_wait3A_222 = arith.constant 256 : i32
    %dma_wait3A_223 = arith.constant 0 : i32
    %dma_wait3A_224 = tpu.memref_slice %arg11[%dma_wait3A_222, %dma_wait3A_223] : memref<512x64xf32, #tpu.memory_space<vmem>> -> memref<128x64xf32, #tpu.memory_space<vmem>>
    %dma_wait3A_225 = arith.constant 0 : i32
    %dma_wait3A_226 = tpu.memref_slice %arg9[%dma_wait3A_221, %dma_wait3A_225] : memref<4x128xi32, #tpu.memory_space<vmem>> -> memref<1x128xi32, #tpu.memory_space<vmem>>
    %dma_wait3A_227 = tpu.memref_squeeze %dma_wait3A_226 : memref<1x128xi32, #tpu.memory_space<vmem>> -> memref<128xi32, #tpu.memory_space<vmem>>
    %dma_wait3A_228 = arith.constant 0 : i32
    %dma_wait3A_229 = arith.constant 0 : i32
    %dma_wait3A_230 = tpu.memref_slice %arg4[%dma_wait3A_228, %dma_wait3A_229] : memref<1000000x64xf32, #tpu.memory_space<hbm>> -> memref<1000000x64xf32, #tpu.memory_space<hbm>>
    tpu.wait_indirect_dma semaphore(%arg17 : memref<!tpu.dma_semaphore, #tpu.memory_space<semaphore_mem>>) src(%dma_wait3A_230 : memref<1000000x64xf32, #tpu.memory_space<hbm>>) dst(%dma_wait3A_224 : memref<128x64xf32, #tpu.memory_space<vmem>>)
    %dma_wait3A_231 = arith.constant 2 : i32
    %dma_wait3A_232 = arith.constant 256 : i32
    %dma_wait3A_233 = arith.constant 0 : i32
    %dma_wait3A_234 = tpu.memref_slice %arg12[%dma_wait3A_232, %dma_wait3A_233] : memref<512x64xf32, #tpu.memory_space<vmem>> -> memref<128x64xf32, #tpu.memory_space<vmem>>
    %dma_wait3A_235 = arith.constant 0 : i32
    %dma_wait3A_236 = tpu.memref_slice %arg10[%dma_wait3A_231, %dma_wait3A_235] : memref<4x128xi32, #tpu.memory_space<vmem>> -> memref<1x128xi32, #tpu.memory_space<vmem>>
    %dma_wait3A_237 = tpu.memref_squeeze %dma_wait3A_236 : memref<1x128xi32, #tpu.memory_space<vmem>> -> memref<128xi32, #tpu.memory_space<vmem>>
    %dma_wait3A_238 = arith.constant 0 : i32
    %dma_wait3A_239 = arith.constant 0 : i32
    %dma_wait3A_240 = tpu.memref_slice %arg5[%dma_wait3A_238, %dma_wait3A_239] : memref<1000000x64xf32, #tpu.memory_space<hbm>> -> memref<1000000x64xf32, #tpu.memory_space<hbm>>
    tpu.wait_indirect_dma semaphore(%arg17 : memref<!tpu.dma_semaphore, #tpu.memory_space<semaphore_mem>>) src(%dma_wait3A_240 : memref<1000000x64xf32, #tpu.memory_space<hbm>>) dst(%dma_wait3A_234 : memref<128x64xf32, #tpu.memory_space<vmem>>)
    %dma_wait3A_241 = arith.constant 2 : i32
    %dma_wait3A_242 = arith.constant 256 : i32
    %dma_wait3A_243 = tpu.memref_slice %arg13[%dma_wait3A_242] : memref<512xf32, #tpu.memory_space<vmem>> -> memref<128xf32, #tpu.memory_space<vmem>>
    %dma_wait3A_244 = arith.constant 0 : i32
    %dma_wait3A_245 = tpu.memref_slice %arg9[%dma_wait3A_241, %dma_wait3A_244] : memref<4x128xi32, #tpu.memory_space<vmem>> -> memref<1x128xi32, #tpu.memory_space<vmem>>
    %dma_wait3A_246 = tpu.memref_squeeze %dma_wait3A_245 : memref<1x128xi32, #tpu.memory_space<vmem>> -> memref<128xi32, #tpu.memory_space<vmem>>
    %dma_wait3A_247 = arith.constant 0 : i32
    %dma_wait3A_248 = tpu.memref_slice %arg6[%dma_wait3A_247] : memref<1000000xf32, #tpu.memory_space<hbm>> -> memref<1000000xf32, #tpu.memory_space<hbm>>
    tpu.wait_indirect_dma semaphore(%arg17 : memref<!tpu.dma_semaphore, #tpu.memory_space<semaphore_mem>>) src(%dma_wait3A_248 : memref<1000000xf32, #tpu.memory_space<hbm>>) dst(%dma_wait3A_243 : memref<128xf32, #tpu.memory_space<vmem>>)
    %dma_wait3A_249 = arith.constant 2 : i32
    %dma_wait3A_250 = arith.constant 256 : i32
    %dma_wait3A_251 = tpu.memref_slice %arg14[%dma_wait3A_250] : memref<512xf32, #tpu.memory_space<vmem>> -> memref<128xf32, #tpu.memory_space<vmem>>
    %dma_wait3A_252 = arith.constant 0 : i32
    %dma_wait3A_253 = tpu.memref_slice %arg10[%dma_wait3A_249, %dma_wait3A_252] : memref<4x128xi32, #tpu.memory_space<vmem>> -> memref<1x128xi32, #tpu.memory_space<vmem>>
    %dma_wait3A_254 = tpu.memref_squeeze %dma_wait3A_253 : memref<1x128xi32, #tpu.memory_space<vmem>> -> memref<128xi32, #tpu.memory_space<vmem>>
    %dma_wait3A_255 = arith.constant 0 : i32
    %dma_wait3A_256 = tpu.memref_slice %arg7[%dma_wait3A_255] : memref<1000000xf32, #tpu.memory_space<hbm>> -> memref<1000000xf32, #tpu.memory_space<hbm>>
    tpu.wait_indirect_dma semaphore(%arg17 : memref<!tpu.dma_semaphore, #tpu.memory_space<semaphore_mem>>) src(%dma_wait3A_256 : memref<1000000xf32, #tpu.memory_space<hbm>>) dst(%dma_wait3A_251 : memref<128xf32, #tpu.memory_space<vmem>>)
    %dma_wait3A_257 = arith.constant 3 : i32
    %dma_wait3A_258 = arith.constant 384 : i32
    %dma_wait3A_259 = arith.constant 0 : i32
    %dma_wait3A_260 = tpu.memref_slice %arg11[%dma_wait3A_258, %dma_wait3A_259] : memref<512x64xf32, #tpu.memory_space<vmem>> -> memref<128x64xf32, #tpu.memory_space<vmem>>
    %dma_wait3A_261 = arith.constant 0 : i32
    %dma_wait3A_262 = tpu.memref_slice %arg9[%dma_wait3A_257, %dma_wait3A_261] : memref<4x128xi32, #tpu.memory_space<vmem>> -> memref<1x128xi32, #tpu.memory_space<vmem>>
    %dma_wait3A_263 = tpu.memref_squeeze %dma_wait3A_262 : memref<1x128xi32, #tpu.memory_space<vmem>> -> memref<128xi32, #tpu.memory_space<vmem>>
    %dma_wait3A_264 = arith.constant 0 : i32
    %dma_wait3A_265 = arith.constant 0 : i32
    %dma_wait3A_266 = tpu.memref_slice %arg4[%dma_wait3A_264, %dma_wait3A_265] : memref<1000000x64xf32, #tpu.memory_space<hbm>> -> memref<1000000x64xf32, #tpu.memory_space<hbm>>
    tpu.wait_indirect_dma semaphore(%arg17 : memref<!tpu.dma_semaphore, #tpu.memory_space<semaphore_mem>>) src(%dma_wait3A_266 : memref<1000000x64xf32, #tpu.memory_space<hbm>>) dst(%dma_wait3A_260 : memref<128x64xf32, #tpu.memory_space<vmem>>)
    %dma_wait3A_267 = arith.constant 3 : i32
    %dma_wait3A_268 = arith.constant 384 : i32
    %dma_wait3A_269 = arith.constant 0 : i32
    %dma_wait3A_270 = tpu.memref_slice %arg12[%dma_wait3A_268, %dma_wait3A_269] : memref<512x64xf32, #tpu.memory_space<vmem>> -> memref<128x64xf32, #tpu.memory_space<vmem>>
    %dma_wait3A_271 = arith.constant 0 : i32
    %dma_wait3A_272 = tpu.memref_slice %arg10[%dma_wait3A_267, %dma_wait3A_271] : memref<4x128xi32, #tpu.memory_space<vmem>> -> memref<1x128xi32, #tpu.memory_space<vmem>>
    %dma_wait3A_273 = tpu.memref_squeeze %dma_wait3A_272 : memref<1x128xi32, #tpu.memory_space<vmem>> -> memref<128xi32, #tpu.memory_space<vmem>>
    %dma_wait3A_274 = arith.constant 0 : i32
    %dma_wait3A_275 = arith.constant 0 : i32
    %dma_wait3A_276 = tpu.memref_slice %arg5[%dma_wait3A_274, %dma_wait3A_275] : memref<1000000x64xf32, #tpu.memory_space<hbm>> -> memref<1000000x64xf32, #tpu.memory_space<hbm>>
    tpu.wait_indirect_dma semaphore(%arg17 : memref<!tpu.dma_semaphore, #tpu.memory_space<semaphore_mem>>) src(%dma_wait3A_276 : memref<1000000x64xf32, #tpu.memory_space<hbm>>) dst(%dma_wait3A_270 : memref<128x64xf32, #tpu.memory_space<vmem>>)
    %dma_wait3A_277 = arith.constant 3 : i32
    %dma_wait3A_278 = arith.constant 384 : i32
    %dma_wait3A_279 = tpu.memref_slice %arg13[%dma_wait3A_278] : memref<512xf32, #tpu.memory_space<vmem>> -> memref<128xf32, #tpu.memory_space<vmem>>
    %dma_wait3A_280 = arith.constant 0 : i32
    %dma_wait3A_281 = tpu.memref_slice %arg9[%dma_wait3A_277, %dma_wait3A_280] : memref<4x128xi32, #tpu.memory_space<vmem>> -> memref<1x128xi32, #tpu.memory_space<vmem>>
    %dma_wait3A_282 = tpu.memref_squeeze %dma_wait3A_281 : memref<1x128xi32, #tpu.memory_space<vmem>> -> memref<128xi32, #tpu.memory_space<vmem>>
    %dma_wait3A_283 = arith.constant 0 : i32
    %dma_wait3A_284 = tpu.memref_slice %arg6[%dma_wait3A_283] : memref<1000000xf32, #tpu.memory_space<hbm>> -> memref<1000000xf32, #tpu.memory_space<hbm>>
    tpu.wait_indirect_dma semaphore(%arg17 : memref<!tpu.dma_semaphore, #tpu.memory_space<semaphore_mem>>) src(%dma_wait3A_284 : memref<1000000xf32, #tpu.memory_space<hbm>>) dst(%dma_wait3A_279 : memref<128xf32, #tpu.memory_space<vmem>>)
    %dma_wait3A_285 = arith.constant 3 : i32
    %dma_wait3A_286 = arith.constant 384 : i32
    %dma_wait3A_287 = tpu.memref_slice %arg14[%dma_wait3A_286] : memref<512xf32, #tpu.memory_space<vmem>> -> memref<128xf32, #tpu.memory_space<vmem>>
    %dma_wait3A_288 = arith.constant 0 : i32
    %dma_wait3A_289 = tpu.memref_slice %arg10[%dma_wait3A_285, %dma_wait3A_288] : memref<4x128xi32, #tpu.memory_space<vmem>> -> memref<1x128xi32, #tpu.memory_space<vmem>>
    %dma_wait3A_290 = tpu.memref_squeeze %dma_wait3A_289 : memref<1x128xi32, #tpu.memory_space<vmem>> -> memref<128xi32, #tpu.memory_space<vmem>>
    %dma_wait3A_291 = arith.constant 0 : i32
    %dma_wait3A_292 = tpu.memref_slice %arg7[%dma_wait3A_291] : memref<1000000xf32, #tpu.memory_space<hbm>> -> memref<1000000xf32, #tpu.memory_space<hbm>>
    tpu.wait_indirect_dma semaphore(%arg17 : memref<!tpu.dma_semaphore, #tpu.memory_space<semaphore_mem>>) src(%dma_wait3A_292 : memref<1000000xf32, #tpu.memory_space<hbm>>) dst(%dma_wait3A_287 : memref<128xf32, #tpu.memory_space<vmem>>)
    %iota3A = tpu.iota {dimensions = array<i32: 0>} : vector<16xi32>
    %scan3A = arith.constant 0 : i32
    %scan3A_293 = arith.constant 32 : i32
    %scan3A_294 = arith.addi %scan3A, %scan3A_293 : i32
    %scan3A_295 = arith.constant 1 : i32
    scf.for %scan3A_297 = %scan3A to %scan3A_294 step %scan3A_295  : i32 {
      %mul3A_298 = arith.constant 16 : i32
      %mul3A_299 = arith.muli %scan3A_297, %mul3A_298 : i32
      %add3A_300 = arith.constant 0 : i32
      %add3A_301 = arith.addi %add3A_300, %mul3A_299 : i32
      %add3A_302 = arith.constant 0 : i32
      %add3A_303 = arith.addi %add3A_301, %add3A_302 : i32
      %get3A = arith.index_cast %add3A_303 : i32 to index
      %get3A_304 = arith.constant 0 : index
      %get3A_305 = tpu.vector_load %arg11[%get3A, %get3A_304] {strides = array<i32>} : memref<512x64xf32, #tpu.memory_space<vmem>>, vector<16xf32>,
      %add3A_306 = arith.constant 0 : i32
      %add3A_307 = arith.addi %add3A_301, %add3A_306 : i32
      %get3A_308 = arith.index_cast %add3A_307 : i32 to index
      %get3A_309 = arith.constant 0 : index
      %get3A_310 = tpu.vector_load %arg12[%get3A_308, %get3A_309] {strides = array<i32>} : memref<512x64xf32, #tpu.memory_space<vmem>>, vector<16xf32>,
      %mul3A_311 = arith.mulf %get3A_305, %get3A_310 : vector<16xf32>
      %add3A_312 = arith.constant 0 : i32
      %add3A_313 = arith.addi %add3A_301, %add3A_312 : i32
      %get3A_314 = arith.index_cast %add3A_313 : i32 to index
      %get3A_315 = arith.constant 16 : index
      %get3A_316 = tpu.vector_load %arg11[%get3A_314, %get3A_315] {strides = array<i32>} : memref<512x64xf32, #tpu.memory_space<vmem>>, vector<16xf32>,
      %add3A_317 = arith.constant 0 : i32
      %add3A_318 = arith.addi %add3A_301, %add3A_317 : i32
      %get3A_319 = arith.index_cast %add3A_318 : i32 to index
      %get3A_320 = arith.constant 16 : index
      %get3A_321 = tpu.vector_load %arg12[%get3A_319, %get3A_320] {strides = array<i32>} : memref<512x64xf32, #tpu.memory_space<vmem>>, vector<16xf32>,
      %mul3A_322 = arith.mulf %get3A_316, %get3A_321 : vector<16xf32>
      %add3A_323 = arith.addf %mul3A_311, %mul3A_322 : vector<16xf32>
      %add3A_324 = arith.constant 0 : i32
      %add3A_325 = arith.addi %add3A_301, %add3A_324 : i32
      %get3A_326 = arith.index_cast %add3A_325 : i32 to index
      %get3A_327 = arith.constant 32 : index
      %get3A_328 = tpu.vector_load %arg11[%get3A_326, %get3A_327] {strides = array<i32>} : memref<512x64xf32, #tpu.memory_space<vmem>>, vector<16xf32>,
      %add3A_329 = arith.constant 0 : i32
      %add3A_330 = arith.addi %add3A_301, %add3A_329 : i32
      %get3A_331 = arith.index_cast %add3A_330 : i32 to index
      %get3A_332 = arith.constant 32 : index
      %get3A_333 = tpu.vector_load %arg12[%get3A_331, %get3A_332] {strides = array<i32>} : memref<512x64xf32, #tpu.memory_space<vmem>>, vector<16xf32>,
      %mul3A_334 = arith.mulf %get3A_328, %get3A_333 : vector<16xf32>
      %add3A_335 = arith.addf %add3A_323, %mul3A_334 : vector<16xf32>
      %add3A_336 = arith.constant 0 : i32
      %add3A_337 = arith.addi %add3A_301, %add3A_336 : i32
      %get3A_338 = arith.index_cast %add3A_337 : i32 to index
      %get3A_339 = arith.constant 48 : index
      %get3A_340 = tpu.vector_load %arg11[%get3A_338, %get3A_339] {strides = array<i32>} : memref<512x64xf32, #tpu.memory_space<vmem>>, vector<16xf32>,
      %add3A_341 = arith.constant 0 : i32
      %add3A_342 = arith.addi %add3A_301, %add3A_341 : i32
      %get3A_343 = arith.index_cast %add3A_342 : i32 to index
      %get3A_344 = arith.constant 48 : index
      %get3A_345 = tpu.vector_load %arg12[%get3A_343, %get3A_344] {strides = array<i32>} : memref<512x64xf32, #tpu.memory_space<vmem>>, vector<16xf32>,
      %mul3A_346 = arith.mulf %get3A_340, %get3A_345 : vector<16xf32>
      %add3A_347 = arith.addf %add3A_335, %mul3A_346 : vector<16xf32>
      %mul3A_348 = arith.constant 16 : i32
      %mul3A_349 = vector.broadcast %mul3A_348 : i32 to vector<16xi32>
      %mul3A_350 = arith.muli %iota3A, %mul3A_349 : vector<16xi32>
      %add3A_351 = arith.constant 0 : i32
      %add3A_352 = vector.broadcast %add3A_351 : i32 to vector<16xi32>
      %add3A_353 = arith.addi %mul3A_350, %add3A_352 : vector<16xi32>
      tpu.vector_store_idx %arg16[%add3A_353], %add3A_347 : memref<256xf32, #tpu.memory_space<vmem>>[vector<16xi32>], vector<16xf32>,
      %add3A_354 = arith.constant 1 : i32
      %add3A_355 = arith.addi %add3A_301, %add3A_354 : i32
      %get3A_356 = arith.index_cast %add3A_355 : i32 to index
      %get3A_357 = arith.constant 0 : index
      %get3A_358 = tpu.vector_load %arg11[%get3A_356, %get3A_357] {strides = array<i32>} : memref<512x64xf32, #tpu.memory_space<vmem>>, vector<16xf32>,
      %add3A_359 = arith.constant 1 : i32
      %add3A_360 = arith.addi %add3A_301, %add3A_359 : i32
      %get3A_361 = arith.index_cast %add3A_360 : i32 to index
      %get3A_362 = arith.constant 0 : index
      %get3A_363 = tpu.vector_load %arg12[%get3A_361, %get3A_362] {strides = array<i32>} : memref<512x64xf32, #tpu.memory_space<vmem>>, vector<16xf32>,
      %mul3A_364 = arith.mulf %get3A_358, %get3A_363 : vector<16xf32>
      %add3A_365 = arith.constant 1 : i32
      %add3A_366 = arith.addi %add3A_301, %add3A_365 : i32
      %get3A_367 = arith.index_cast %add3A_366 : i32 to index
      %get3A_368 = arith.constant 16 : index
      %get3A_369 = tpu.vector_load %arg11[%get3A_367, %get3A_368] {strides = array<i32>} : memref<512x64xf32, #tpu.memory_space<vmem>>, vector<16xf32>,
      %add3A_370 = arith.constant 1 : i32
      %add3A_371 = arith.addi %add3A_301, %add3A_370 : i32
      %get3A_372 = arith.index_cast %add3A_371 : i32 to index
      %get3A_373 = arith.constant 16 : index
      %get3A_374 = tpu.vector_load %arg12[%get3A_372, %get3A_373] {strides = array<i32>} : memref<512x64xf32, #tpu.memory_space<vmem>>, vector<16xf32>,
      %mul3A_375 = arith.mulf %get3A_369, %get3A_374 : vector<16xf32>
      %add3A_376 = arith.addf %mul3A_364, %mul3A_375 : vector<16xf32>
      %add3A_377 = arith.constant 1 : i32
      %add3A_378 = arith.addi %add3A_301, %add3A_377 : i32
      %get3A_379 = arith.index_cast %add3A_378 : i32 to index
      %get3A_380 = arith.constant 32 : index
      %get3A_381 = tpu.vector_load %arg11[%get3A_379, %get3A_380] {strides = array<i32>} : memref<512x64xf32, #tpu.memory_space<vmem>>, vector<16xf32>,
      %add3A_382 = arith.constant 1 : i32
      %add3A_383 = arith.addi %add3A_301, %add3A_382 : i32
      %get3A_384 = arith.index_cast %add3A_383 : i32 to index
      %get3A_385 = arith.constant 32 : index
      %get3A_386 = tpu.vector_load %arg12[%get3A_384, %get3A_385] {strides = array<i32>} : memref<512x64xf32, #tpu.memory_space<vmem>>, vector<16xf32>,
      %mul3A_387 = arith.mulf %get3A_381, %get3A_386 : vector<16xf32>
      %add3A_388 = arith.addf %add3A_376, %mul3A_387 : vector<16xf32>
      %add3A_389 = arith.constant 1 : i32
      %add3A_390 = arith.addi %add3A_301, %add3A_389 : i32
      %get3A_391 = arith.index_cast %add3A_390 : i32 to index
      %get3A_392 = arith.constant 48 : index
      %get3A_393 = tpu.vector_load %arg11[%get3A_391, %get3A_392] {strides = array<i32>} : memref<512x64xf32, #tpu.memory_space<vmem>>, vector<16xf32>,
      %add3A_394 = arith.constant 1 : i32
      %add3A_395 = arith.addi %add3A_301, %add3A_394 : i32
      %get3A_396 = arith.index_cast %add3A_395 : i32 to index
      %get3A_397 = arith.constant 48 : index
      %get3A_398 = tpu.vector_load %arg12[%get3A_396, %get3A_397] {strides = array<i32>} : memref<512x64xf32, #tpu.memory_space<vmem>>, vector<16xf32>,
      %mul3A_399 = arith.mulf %get3A_393, %get3A_398 : vector<16xf32>
      %add3A_400 = arith.addf %add3A_388, %mul3A_399 : vector<16xf32>
      %mul3A_401 = arith.constant 16 : i32
      %mul3A_402 = vector.broadcast %mul3A_401 : i32 to vector<16xi32>
      %mul3A_403 = arith.muli %iota3A, %mul3A_402 : vector<16xi32>
      %add3A_404 = arith.constant 1 : i32
      %add3A_405 = vector.broadcast %add3A_404 : i32 to vector<16xi32>
      %add3A_406 = arith.addi %mul3A_403, %add3A_405 : vector<16xi32>
      tpu.vector_store_idx %arg16[%add3A_406], %add3A_400 : memref<256xf32, #tpu.memory_space<vmem>>[vector<16xi32>], vector<16xf32>,
      %add3A_407 = arith.constant 2 : i32
      %add3A_408 = arith.addi %add3A_301, %add3A_407 : i32
      %get3A_409 = arith.index_cast %add3A_408 : i32 to index
      %get3A_410 = arith.constant 0 : index
      %get3A_411 = tpu.vector_load %arg11[%get3A_409, %get3A_410] {strides = array<i32>} : memref<512x64xf32, #tpu.memory_space<vmem>>, vector<16xf32>,
      %add3A_412 = arith.constant 2 : i32
      %add3A_413 = arith.addi %add3A_301, %add3A_412 : i32
      %get3A_414 = arith.index_cast %add3A_413 : i32 to index
      %get3A_415 = arith.constant 0 : index
      %get3A_416 = tpu.vector_load %arg12[%get3A_414, %get3A_415] {strides = array<i32>} : memref<512x64xf32, #tpu.memory_space<vmem>>, vector<16xf32>,
      %mul3A_417 = arith.mulf %get3A_411, %get3A_416 : vector<16xf32>
      %add3A_418 = arith.constant 2 : i32
      %add3A_419 = arith.addi %add3A_301, %add3A_418 : i32
      %get3A_420 = arith.index_cast %add3A_419 : i32 to index
      %get3A_421 = arith.constant 16 : index
      %get3A_422 = tpu.vector_load %arg11[%get3A_420, %get3A_421] {strides = array<i32>} : memref<512x64xf32, #tpu.memory_space<vmem>>, vector<16xf32>,
      %add3A_423 = arith.constant 2 : i32
      %add3A_424 = arith.addi %add3A_301, %add3A_423 : i32
      %get3A_425 = arith.index_cast %add3A_424 : i32 to index
      %get3A_426 = arith.constant 16 : index
      %get3A_427 = tpu.vector_load %arg12[%get3A_425, %get3A_426] {strides = array<i32>} : memref<512x64xf32, #tpu.memory_space<vmem>>, vector<16xf32>,
      %mul3A_428 = arith.mulf %get3A_422, %get3A_427 : vector<16xf32>
      %add3A_429 = arith.addf %mul3A_417, %mul3A_428 : vector<16xf32>
      %add3A_430 = arith.constant 2 : i32
      %add3A_431 = arith.addi %add3A_301, %add3A_430 : i32
      %get3A_432 = arith.index_cast %add3A_431 : i32 to index
      %get3A_433 = arith.constant 32 : index
      %get3A_434 = tpu.vector_load %arg11[%get3A_432, %get3A_433] {strides = array<i32>} : memref<512x64xf32, #tpu.memory_space<vmem>>, vector<16xf32>,
      %add3A_435 = arith.constant 2 : i32
      %add3A_436 = arith.addi %add3A_301, %add3A_435 : i32
      %get3A_437 = arith.index_cast %add3A_436 : i32 to index
      %get3A_438 = arith.constant 32 : index
      %get3A_439 = tpu.vector_load %arg12[%get3A_437, %get3A_438] {strides = array<i32>} : memref<512x64xf32, #tpu.memory_space<vmem>>, vector<16xf32>,
      %mul3A_440 = arith.mulf %get3A_434, %get3A_439 : vector<16xf32>
      %add3A_441 = arith.addf %add3A_429, %mul3A_440 : vector<16xf32>
      %add3A_442 = arith.constant 2 : i32
      %add3A_443 = arith.addi %add3A_301, %add3A_442 : i32
      %get3A_444 = arith.index_cast %add3A_443 : i32 to index
      %get3A_445 = arith.constant 48 : index
      %get3A_446 = tpu.vector_load %arg11[%get3A_444, %get3A_445] {strides = array<i32>} : memref<512x64xf32, #tpu.memory_space<vmem>>, vector<16xf32>,
      %add3A_447 = arith.constant 2 : i32
      %add3A_448 = arith.addi %add3A_301, %add3A_447 : i32
      %get3A_449 = arith.index_cast %add3A_448 : i32 to index
      %get3A_450 = arith.constant 48 : index
      %get3A_451 = tpu.vector_load %arg12[%get3A_449, %get3A_450] {strides = array<i32>} : memref<512x64xf32, #tpu.memory_space<vmem>>, vector<16xf32>,
      %mul3A_452 = arith.mulf %get3A_446, %get3A_451 : vector<16xf32>
      %add3A_453 = arith.addf %add3A_441, %mul3A_452 : vector<16xf32>
      %mul3A_454 = arith.constant 16 : i32
      %mul3A_455 = vector.broadcast %mul3A_454 : i32 to vector<16xi32>
      %mul3A_456 = arith.muli %iota3A, %mul3A_455 : vector<16xi32>
      %add3A_457 = arith.constant 2 : i32
      %add3A_458 = vector.broadcast %add3A_457 : i32 to vector<16xi32>
      %add3A_459 = arith.addi %mul3A_456, %add3A_458 : vector<16xi32>
      tpu.vector_store_idx %arg16[%add3A_459], %add3A_453 : memref<256xf32, #tpu.memory_space<vmem>>[vector<16xi32>], vector<16xf32>,
      %add3A_460 = arith.constant 3 : i32
      %add3A_461 = arith.addi %add3A_301, %add3A_460 : i32
      %get3A_462 = arith.index_cast %add3A_461 : i32 to index
      %get3A_463 = arith.constant 0 : index
      %get3A_464 = tpu.vector_load %arg11[%get3A_462, %get3A_463] {strides = array<i32>} : memref<512x64xf32, #tpu.memory_space<vmem>>, vector<16xf32>,
      %add3A_465 = arith.constant 3 : i32
      %add3A_466 = arith.addi %add3A_301, %add3A_465 : i32
      %get3A_467 = arith.index_cast %add3A_466 : i32 to index
      %get3A_468 = arith.constant 0 : index
      %get3A_469 = tpu.vector_load %arg12[%get3A_467, %get3A_468] {strides = array<i32>} : memref<512x64xf32, #tpu.memory_space<vmem>>, vector<16xf32>,
      %mul3A_470 = arith.mulf %get3A_464, %get3A_469 : vector<16xf32>
      %add3A_471 = arith.constant 3 : i32
      %add3A_472 = arith.addi %add3A_301, %add3A_471 : i32
      %get3A_473 = arith.index_cast %add3A_472 : i32 to index
      %get3A_474 = arith.constant 16 : index
      %get3A_475 = tpu.vector_load %arg11[%get3A_473, %get3A_474] {strides = array<i32>} : memref<512x64xf32, #tpu.memory_space<vmem>>, vector<16xf32>,
      %add3A_476 = arith.constant 3 : i32
      %add3A_477 = arith.addi %add3A_301, %add3A_476 : i32
      %get3A_478 = arith.index_cast %add3A_477 : i32 to index
      %get3A_479 = arith.constant 16 : index
      %get3A_480 = tpu.vector_load %arg12[%get3A_478, %get3A_479] {strides = array<i32>} : memref<512x64xf32, #tpu.memory_space<vmem>>, vector<16xf32>,
      %mul3A_481 = arith.mulf %get3A_475, %get3A_480 : vector<16xf32>
      %add3A_482 = arith.addf %mul3A_470, %mul3A_481 : vector<16xf32>
      %add3A_483 = arith.constant 3 : i32
      %add3A_484 = arith.addi %add3A_301, %add3A_483 : i32
      %get3A_485 = arith.index_cast %add3A_484 : i32 to index
      %get3A_486 = arith.constant 32 : index
      %get3A_487 = tpu.vector_load %arg11[%get3A_485, %get3A_486] {strides = array<i32>} : memref<512x64xf32, #tpu.memory_space<vmem>>, vector<16xf32>,
      %add3A_488 = arith.constant 3 : i32
      %add3A_489 = arith.addi %add3A_301, %add3A_488 : i32
      %get3A_490 = arith.index_cast %add3A_489 : i32 to index
      %get3A_491 = arith.constant 32 : index
      %get3A_492 = tpu.vector_load %arg12[%get3A_490, %get3A_491] {strides = array<i32>} : memref<512x64xf32, #tpu.memory_space<vmem>>, vector<16xf32>,
      %mul3A_493 = arith.mulf %get3A_487, %get3A_492 : vector<16xf32>
      %add3A_494 = arith.addf %add3A_482, %mul3A_493 : vector<16xf32>
      %add3A_495 = arith.constant 3 : i32
      %add3A_496 = arith.addi %add3A_301, %add3A_495 : i32
      %get3A_497 = arith.index_cast %add3A_496 : i32 to index
      %get3A_498 = arith.constant 48 : index
      %get3A_499 = tpu.vector_load %arg11[%get3A_497, %get3A_498] {strides = array<i32>} : memref<512x64xf32, #tpu.memory_space<vmem>>, vector<16xf32>,
      %add3A_500 = arith.constant 3 : i32
      %add3A_501 = arith.addi %add3A_301, %add3A_500 : i32
      %get3A_502 = arith.index_cast %add3A_501 : i32 to index
      %get3A_503 = arith.constant 48 : index
      %get3A_504 = tpu.vector_load %arg12[%get3A_502, %get3A_503] {strides = array<i32>} : memref<512x64xf32, #tpu.memory_space<vmem>>, vector<16xf32>,
      %mul3A_505 = arith.mulf %get3A_499, %get3A_504 : vector<16xf32>
      %add3A_506 = arith.addf %add3A_494, %mul3A_505 : vector<16xf32>
      %mul3A_507 = arith.constant 16 : i32
      %mul3A_508 = vector.broadcast %mul3A_507 : i32 to vector<16xi32>
      %mul3A_509 = arith.muli %iota3A, %mul3A_508 : vector<16xi32>
      %add3A_510 = arith.constant 3 : i32
      %add3A_511 = vector.broadcast %add3A_510 : i32 to vector<16xi32>
      %add3A_512 = arith.addi %mul3A_509, %add3A_511 : vector<16xi32>
      tpu.vector_store_idx %arg16[%add3A_512], %add3A_506 : memref<256xf32, #tpu.memory_space<vmem>>[vector<16xi32>], vector<16xf32>,
      %add3A_513 = arith.constant 4 : i32
      %add3A_514 = arith.addi %add3A_301, %add3A_513 : i32
      %get3A_515 = arith.index_cast %add3A_514 : i32 to index
      %get3A_516 = arith.constant 0 : index
      %get3A_517 = tpu.vector_load %arg11[%get3A_515, %get3A_516] {strides = array<i32>} : memref<512x64xf32, #tpu.memory_space<vmem>>, vector<16xf32>,
      %add3A_518 = arith.constant 4 : i32
      %add3A_519 = arith.addi %add3A_301, %add3A_518 : i32
      %get3A_520 = arith.index_cast %add3A_519 : i32 to index
      %get3A_521 = arith.constant 0 : index
      %get3A_522 = tpu.vector_load %arg12[%get3A_520, %get3A_521] {strides = array<i32>} : memref<512x64xf32, #tpu.memory_space<vmem>>, vector<16xf32>,
      %mul3A_523 = arith.mulf %get3A_517, %get3A_522 : vector<16xf32>
      %add3A_524 = arith.constant 4 : i32
      %add3A_525 = arith.addi %add3A_301, %add3A_524 : i32
      %get3A_526 = arith.index_cast %add3A_525 : i32 to index
      %get3A_527 = arith.constant 16 : index
      %get3A_528 = tpu.vector_load %arg11[%get3A_526, %get3A_527] {strides = array<i32>} : memref<512x64xf32, #tpu.memory_space<vmem>>, vector<16xf32>,
      %add3A_529 = arith.constant 4 : i32
      %add3A_530 = arith.addi %add3A_301, %add3A_529 : i32
      %get3A_531 = arith.index_cast %add3A_530 : i32 to index
      %get3A_532 = arith.constant 16 : index
      %get3A_533 = tpu.vector_load %arg12[%get3A_531, %get3A_532] {strides = array<i32>} : memref<512x64xf32, #tpu.memory_space<vmem>>, vector<16xf32>,
      %mul3A_534 = arith.mulf %get3A_528, %get3A_533 : vector<16xf32>
      %add3A_535 = arith.addf %mul3A_523, %mul3A_534 : vector<16xf32>
      %add3A_536 = arith.constant 4 : i32
      %add3A_537 = arith.addi %add3A_301, %add3A_536 : i32
      %get3A_538 = arith.index_cast %add3A_537 : i32 to index
      %get3A_539 = arith.constant 32 : index
      %get3A_540 = tpu.vector_load %arg11[%get3A_538, %get3A_539] {strides = array<i32>} : memref<512x64xf32, #tpu.memory_space<vmem>>, vector<16xf32>,
      %add3A_541 = arith.constant 4 : i32
      %add3A_542 = arith.addi %add3A_301, %add3A_541 : i32
      %get3A_543 = arith.index_cast %add3A_542 : i32 to index
      %get3A_544 = arith.constant 32 : index
      %get3A_545 = tpu.vector_load %arg12[%get3A_543, %get3A_544] {strides = array<i32>} : memref<512x64xf32, #tpu.memory_space<vmem>>, vector<16xf32>,
      %mul3A_546 = arith.mulf %get3A_540, %get3A_545 : vector<16xf32>
      %add3A_547 = arith.addf %add3A_535, %mul3A_546 : vector<16xf32>
      %add3A_548 = arith.constant 4 : i32
      %add3A_549 = arith.addi %add3A_301, %add3A_548 : i32
      %get3A_550 = arith.index_cast %add3A_549 : i32 to index
      %get3A_551 = arith.constant 48 : index
      %get3A_552 = tpu.vector_load %arg11[%get3A_550, %get3A_551] {strides = array<i32>} : memref<512x64xf32, #tpu.memory_space<vmem>>, vector<16xf32>,
      %add3A_553 = arith.constant 4 : i32
      %add3A_554 = arith.addi %add3A_301, %add3A_553 : i32
      %get3A_555 = arith.index_cast %add3A_554 : i32 to index
      %get3A_556 = arith.constant 48 : index
      %get3A_557 = tpu.vector_load %arg12[%get3A_555, %get3A_556] {strides = array<i32>} : memref<512x64xf32, #tpu.memory_space<vmem>>, vector<16xf32>,
      %mul3A_558 = arith.mulf %get3A_552, %get3A_557 : vector<16xf32>
      %add3A_559 = arith.addf %add3A_547, %mul3A_558 : vector<16xf32>
      %mul3A_560 = arith.constant 16 : i32
      %mul3A_561 = vector.broadcast %mul3A_560 : i32 to vector<16xi32>
      %mul3A_562 = arith.muli %iota3A, %mul3A_561 : vector<16xi32>
      %add3A_563 = arith.constant 4 : i32
      %add3A_564 = vector.broadcast %add3A_563 : i32 to vector<16xi32>
      %add3A_565 = arith.addi %mul3A_562, %add3A_564 : vector<16xi32>
      tpu.vector_store_idx %arg16[%add3A_565], %add3A_559 : memref<256xf32, #tpu.memory_space<vmem>>[vector<16xi32>], vector<16xf32>,
      %add3A_566 = arith.constant 5 : i32
      %add3A_567 = arith.addi %add3A_301, %add3A_566 : i32
      %get3A_568 = arith.index_cast %add3A_567 : i32 to index
      %get3A_569 = arith.constant 0 : index
      %get3A_570 = tpu.vector_load %arg11[%get3A_568, %get3A_569] {strides = array<i32>} : memref<512x64xf32, #tpu.memory_space<vmem>>, vector<16xf32>,
      %add3A_571 = arith.constant 5 : i32
      %add3A_572 = arith.addi %add3A_301, %add3A_571 : i32
      %get3A_573 = arith.index_cast %add3A_572 : i32 to index
      %get3A_574 = arith.constant 0 : index
      %get3A_575 = tpu.vector_load %arg12[%get3A_573, %get3A_574] {strides = array<i32>} : memref<512x64xf32, #tpu.memory_space<vmem>>, vector<16xf32>,
      %mul3A_576 = arith.mulf %get3A_570, %get3A_575 : vector<16xf32>
      %add3A_577 = arith.constant 5 : i32
      %add3A_578 = arith.addi %add3A_301, %add3A_577 : i32
      %get3A_579 = arith.index_cast %add3A_578 : i32 to index
      %get3A_580 = arith.constant 16 : index
      %get3A_581 = tpu.vector_load %arg11[%get3A_579, %get3A_580] {strides = array<i32>} : memref<512x64xf32, #tpu.memory_space<vmem>>, vector<16xf32>,
      %add3A_582 = arith.constant 5 : i32
      %add3A_583 = arith.addi %add3A_301, %add3A_582 : i32
      %get3A_584 = arith.index_cast %add3A_583 : i32 to index
      %get3A_585 = arith.constant 16 : index
      %get3A_586 = tpu.vector_load %arg12[%get3A_584, %get3A_585] {strides = array<i32>} : memref<512x64xf32, #tpu.memory_space<vmem>>, vector<16xf32>,
      %mul3A_587 = arith.mulf %get3A_581, %get3A_586 : vector<16xf32>
      %add3A_588 = arith.addf %mul3A_576, %mul3A_587 : vector<16xf32>
      %add3A_589 = arith.constant 5 : i32
      %add3A_590 = arith.addi %add3A_301, %add3A_589 : i32
      %get3A_591 = arith.index_cast %add3A_590 : i32 to index
      %get3A_592 = arith.constant 32 : index
      %get3A_593 = tpu.vector_load %arg11[%get3A_591, %get3A_592] {strides = array<i32>} : memref<512x64xf32, #tpu.memory_space<vmem>>, vector<16xf32>,
      %add3A_594 = arith.constant 5 : i32
      %add3A_595 = arith.addi %add3A_301, %add3A_594 : i32
      %get3A_596 = arith.index_cast %add3A_595 : i32 to index
      %get3A_597 = arith.constant 32 : index
      %get3A_598 = tpu.vector_load %arg12[%get3A_596, %get3A_597] {strides = array<i32>} : memref<512x64xf32, #tpu.memory_space<vmem>>, vector<16xf32>,
      %mul3A_599 = arith.mulf %get3A_593, %get3A_598 : vector<16xf32>
      %add3A_600 = arith.addf %add3A_588, %mul3A_599 : vector<16xf32>
      %add3A_601 = arith.constant 5 : i32
      %add3A_602 = arith.addi %add3A_301, %add3A_601 : i32
      %get3A_603 = arith.index_cast %add3A_602 : i32 to index
      %get3A_604 = arith.constant 48 : index
      %get3A_605 = tpu.vector_load %arg11[%get3A_603, %get3A_604] {strides = array<i32>} : memref<512x64xf32, #tpu.memory_space<vmem>>, vector<16xf32>,
      %add3A_606 = arith.constant 5 : i32
      %add3A_607 = arith.addi %add3A_301, %add3A_606 : i32
      %get3A_608 = arith.index_cast %add3A_607 : i32 to index
      %get3A_609 = arith.constant 48 : index
      %get3A_610 = tpu.vector_load %arg12[%get3A_608, %get3A_609] {strides = array<i32>} : memref<512x64xf32, #tpu.memory_space<vmem>>, vector<16xf32>,
      %mul3A_611 = arith.mulf %get3A_605, %get3A_610 : vector<16xf32>
      %add3A_612 = arith.addf %add3A_600, %mul3A_611 : vector<16xf32>
      %mul3A_613 = arith.constant 16 : i32
      %mul3A_614 = vector.broadcast %mul3A_613 : i32 to vector<16xi32>
      %mul3A_615 = arith.muli %iota3A, %mul3A_614 : vector<16xi32>
      %add3A_616 = arith.constant 5 : i32
      %add3A_617 = vector.broadcast %add3A_616 : i32 to vector<16xi32>
      %add3A_618 = arith.addi %mul3A_615, %add3A_617 : vector<16xi32>
      tpu.vector_store_idx %arg16[%add3A_618], %add3A_612 : memref<256xf32, #tpu.memory_space<vmem>>[vector<16xi32>], vector<16xf32>,
      %add3A_619 = arith.constant 6 : i32
      %add3A_620 = arith.addi %add3A_301, %add3A_619 : i32
      %get3A_621 = arith.index_cast %add3A_620 : i32 to index
      %get3A_622 = arith.constant 0 : index
      %get3A_623 = tpu.vector_load %arg11[%get3A_621, %get3A_622] {strides = array<i32>} : memref<512x64xf32, #tpu.memory_space<vmem>>, vector<16xf32>,
      %add3A_624 = arith.constant 6 : i32
      %add3A_625 = arith.addi %add3A_301, %add3A_624 : i32
      %get3A_626 = arith.index_cast %add3A_625 : i32 to index
      %get3A_627 = arith.constant 0 : index
      %get3A_628 = tpu.vector_load %arg12[%get3A_626, %get3A_627] {strides = array<i32>} : memref<512x64xf32, #tpu.memory_space<vmem>>, vector<16xf32>,
      %mul3A_629 = arith.mulf %get3A_623, %get3A_628 : vector<16xf32>
      %add3A_630 = arith.constant 6 : i32
      %add3A_631 = arith.addi %add3A_301, %add3A_630 : i32
      %get3A_632 = arith.index_cast %add3A_631 : i32 to index
      %get3A_633 = arith.constant 16 : index
      %get3A_634 = tpu.vector_load %arg11[%get3A_632, %get3A_633] {strides = array<i32>} : memref<512x64xf32, #tpu.memory_space<vmem>>, vector<16xf32>,
      %add3A_635 = arith.constant 6 : i32
      %add3A_636 = arith.addi %add3A_301, %add3A_635 : i32
      %get3A_637 = arith.index_cast %add3A_636 : i32 to index
      %get3A_638 = arith.constant 16 : index
      %get3A_639 = tpu.vector_load %arg12[%get3A_637, %get3A_638] {strides = array<i32>} : memref<512x64xf32, #tpu.memory_space<vmem>>, vector<16xf32>,
      %mul3A_640 = arith.mulf %get3A_634, %get3A_639 : vector<16xf32>
      %add3A_641 = arith.addf %mul3A_629, %mul3A_640 : vector<16xf32>
      %add3A_642 = arith.constant 6 : i32
      %add3A_643 = arith.addi %add3A_301, %add3A_642 : i32
      %get3A_644 = arith.index_cast %add3A_643 : i32 to index
      %get3A_645 = arith.constant 32 : index
      %get3A_646 = tpu.vector_load %arg11[%get3A_644, %get3A_645] {strides = array<i32>} : memref<512x64xf32, #tpu.memory_space<vmem>>, vector<16xf32>,
      %add3A_647 = arith.constant 6 : i32
      %add3A_648 = arith.addi %add3A_301, %add3A_647 : i32
      %get3A_649 = arith.index_cast %add3A_648 : i32 to index
      %get3A_650 = arith.constant 32 : index
      %get3A_651 = tpu.vector_load %arg12[%get3A_649, %get3A_650] {strides = array<i32>} : memref<512x64xf32, #tpu.memory_space<vmem>>, vector<16xf32>,
      %mul3A_652 = arith.mulf %get3A_646, %get3A_651 : vector<16xf32>
      %add3A_653 = arith.addf %add3A_641, %mul3A_652 : vector<16xf32>
      %add3A_654 = arith.constant 6 : i32
      %add3A_655 = arith.addi %add3A_301, %add3A_654 : i32
      %get3A_656 = arith.index_cast %add3A_655 : i32 to index
      %get3A_657 = arith.constant 48 : index
      %get3A_658 = tpu.vector_load %arg11[%get3A_656, %get3A_657] {strides = array<i32>} : memref<512x64xf32, #tpu.memory_space<vmem>>, vector<16xf32>,
      %add3A_659 = arith.constant 6 : i32
      %add3A_660 = arith.addi %add3A_301, %add3A_659 : i32
      %get3A_661 = arith.index_cast %add3A_660 : i32 to index
      %get3A_662 = arith.constant 48 : index
      %get3A_663 = tpu.vector_load %arg12[%get3A_661, %get3A_662] {strides = array<i32>} : memref<512x64xf32, #tpu.memory_space<vmem>>, vector<16xf32>,
      %mul3A_664 = arith.mulf %get3A_658, %get3A_663 : vector<16xf32>
      %add3A_665 = arith.addf %add3A_653, %mul3A_664 : vector<16xf32>
      %mul3A_666 = arith.constant 16 : i32
      %mul3A_667 = vector.broadcast %mul3A_666 : i32 to vector<16xi32>
      %mul3A_668 = arith.muli %iota3A, %mul3A_667 : vector<16xi32>
      %add3A_669 = arith.constant 6 : i32
      %add3A_670 = vector.broadcast %add3A_669 : i32 to vector<16xi32>
      %add3A_671 = arith.addi %mul3A_668, %add3A_670 : vector<16xi32>
      tpu.vector_store_idx %arg16[%add3A_671], %add3A_665 : memref<256xf32, #tpu.memory_space<vmem>>[vector<16xi32>], vector<16xf32>,
      %add3A_672 = arith.constant 7 : i32
      %add3A_673 = arith.addi %add3A_301, %add3A_672 : i32
      %get3A_674 = arith.index_cast %add3A_673 : i32 to index
      %get3A_675 = arith.constant 0 : index
      %get3A_676 = tpu.vector_load %arg11[%get3A_674, %get3A_675] {strides = array<i32>} : memref<512x64xf32, #tpu.memory_space<vmem>>, vector<16xf32>,
      %add3A_677 = arith.constant 7 : i32
      %add3A_678 = arith.addi %add3A_301, %add3A_677 : i32
      %get3A_679 = arith.index_cast %add3A_678 : i32 to index
      %get3A_680 = arith.constant 0 : index
      %get3A_681 = tpu.vector_load %arg12[%get3A_679, %get3A_680] {strides = array<i32>} : memref<512x64xf32, #tpu.memory_space<vmem>>, vector<16xf32>,
      %mul3A_682 = arith.mulf %get3A_676, %get3A_681 : vector<16xf32>
      %add3A_683 = arith.constant 7 : i32
      %add3A_684 = arith.addi %add3A_301, %add3A_683 : i32
      %get3A_685 = arith.index_cast %add3A_684 : i32 to index
      %get3A_686 = arith.constant 16 : index
      %get3A_687 = tpu.vector_load %arg11[%get3A_685, %get3A_686] {strides = array<i32>} : memref<512x64xf32, #tpu.memory_space<vmem>>, vector<16xf32>,
      %add3A_688 = arith.constant 7 : i32
      %add3A_689 = arith.addi %add3A_301, %add3A_688 : i32
      %get3A_690 = arith.index_cast %add3A_689 : i32 to index
      %get3A_691 = arith.constant 16 : index
      %get3A_692 = tpu.vector_load %arg12[%get3A_690, %get3A_691] {strides = array<i32>} : memref<512x64xf32, #tpu.memory_space<vmem>>, vector<16xf32>,
      %mul3A_693 = arith.mulf %get3A_687, %get3A_692 : vector<16xf32>
      %add3A_694 = arith.addf %mul3A_682, %mul3A_693 : vector<16xf32>
      %add3A_695 = arith.constant 7 : i32
      %add3A_696 = arith.addi %add3A_301, %add3A_695 : i32
      %get3A_697 = arith.index_cast %add3A_696 : i32 to index
      %get3A_698 = arith.constant 32 : index
      %get3A_699 = tpu.vector_load %arg11[%get3A_697, %get3A_698] {strides = array<i32>} : memref<512x64xf32, #tpu.memory_space<vmem>>, vector<16xf32>,
      %add3A_700 = arith.constant 7 : i32
      %add3A_701 = arith.addi %add3A_301, %add3A_700 : i32
      %get3A_702 = arith.index_cast %add3A_701 : i32 to index
      %get3A_703 = arith.constant 32 : index
      %get3A_704 = tpu.vector_load %arg12[%get3A_702, %get3A_703] {strides = array<i32>} : memref<512x64xf32, #tpu.memory_space<vmem>>, vector<16xf32>,
      %mul3A_705 = arith.mulf %get3A_699, %get3A_704 : vector<16xf32>
      %add3A_706 = arith.addf %add3A_694, %mul3A_705 : vector<16xf32>
      %add3A_707 = arith.constant 7 : i32
      %add3A_708 = arith.addi %add3A_301, %add3A_707 : i32
      %get3A_709 = arith.index_cast %add3A_708 : i32 to index
      %get3A_710 = arith.constant 48 : index
      %get3A_711 = tpu.vector_load %arg11[%get3A_709, %get3A_710] {strides = array<i32>} : memref<512x64xf32, #tpu.memory_space<vmem>>, vector<16xf32>,
      %add3A_712 = arith.constant 7 : i32
      %add3A_713 = arith.addi %add3A_301, %add3A_712 : i32
      %get3A_714 = arith.index_cast %add3A_713 : i32 to index
      %get3A_715 = arith.constant 48 : index
      %get3A_716 = tpu.vector_load %arg12[%get3A_714, %get3A_715] {strides = array<i32>} : memref<512x64xf32, #tpu.memory_space<vmem>>, vector<16xf32>,
      %mul3A_717 = arith.mulf %get3A_711, %get3A_716 : vector<16xf32>
      %add3A_718 = arith.addf %add3A_706, %mul3A_717 : vector<16xf32>
      %mul3A_719 = arith.constant 16 : i32
      %mul3A_720 = vector.broadcast %mul3A_719 : i32 to vector<16xi32>
      %mul3A_721 = arith.muli %iota3A, %mul3A_720 : vector<16xi32>
      %add3A_722 = arith.constant 7 : i32
      %add3A_723 = vector.broadcast %add3A_722 : i32 to vector<16xi32>
      %add3A_724 = arith.addi %mul3A_721, %add3A_723 : vector<16xi32>
      tpu.vector_store_idx %arg16[%add3A_724], %add3A_718 : memref<256xf32, #tpu.memory_space<vmem>>[vector<16xi32>], vector<16xf32>,
      %add3A_725 = arith.constant 8 : i32
      %add3A_726 = arith.addi %add3A_301, %add3A_725 : i32
      %get3A_727 = arith.index_cast %add3A_726 : i32 to index
      %get3A_728 = arith.constant 0 : index
      %get3A_729 = tpu.vector_load %arg11[%get3A_727, %get3A_728] {strides = array<i32>} : memref<512x64xf32, #tpu.memory_space<vmem>>, vector<16xf32>,
      %add3A_730 = arith.constant 8 : i32
      %add3A_731 = arith.addi %add3A_301, %add3A_730 : i32
      %get3A_732 = arith.index_cast %add3A_731 : i32 to index
      %get3A_733 = arith.constant 0 : index
      %get3A_734 = tpu.vector_load %arg12[%get3A_732, %get3A_733] {strides = array<i32>} : memref<512x64xf32, #tpu.memory_space<vmem>>, vector<16xf32>,
      %mul3A_735 = arith.mulf %get3A_729, %get3A_734 : vector<16xf32>
      %add3A_736 = arith.constant 8 : i32
      %add3A_737 = arith.addi %add3A_301, %add3A_736 : i32
      %get3A_738 = arith.index_cast %add3A_737 : i32 to index
      %get3A_739 = arith.constant 16 : index
      %get3A_740 = tpu.vector_load %arg11[%get3A_738, %get3A_739] {strides = array<i32>} : memref<512x64xf32, #tpu.memory_space<vmem>>, vector<16xf32>,
      %add3A_741 = arith.constant 8 : i32
      %add3A_742 = arith.addi %add3A_301, %add3A_741 : i32
      %get3A_743 = arith.index_cast %add3A_742 : i32 to index
      %get3A_744 = arith.constant 16 : index
      %get3A_745 = tpu.vector_load %arg12[%get3A_743, %get3A_744] {strides = array<i32>} : memref<512x64xf32, #tpu.memory_space<vmem>>, vector<16xf32>,
      %mul3A_746 = arith.mulf %get3A_740, %get3A_745 : vector<16xf32>
      %add3A_747 = arith.addf %mul3A_735, %mul3A_746 : vector<16xf32>
      %add3A_748 = arith.constant 8 : i32
      %add3A_749 = arith.addi %add3A_301, %add3A_748 : i32
      %get3A_750 = arith.index_cast %add3A_749 : i32 to index
      %get3A_751 = arith.constant 32 : index
      %get3A_752 = tpu.vector_load %arg11[%get3A_750, %get3A_751] {strides = array<i32>} : memref<512x64xf32, #tpu.memory_space<vmem>>, vector<16xf32>,
      %add3A_753 = arith.constant 8 : i32
      %add3A_754 = arith.addi %add3A_301, %add3A_753 : i32
      %get3A_755 = arith.index_cast %add3A_754 : i32 to index
      %get3A_756 = arith.constant 32 : index
      %get3A_757 = tpu.vector_load %arg12[%get3A_755, %get3A_756] {strides = array<i32>} : memref<512x64xf32, #tpu.memory_space<vmem>>, vector<16xf32>,
      %mul3A_758 = arith.mulf %get3A_752, %get3A_757 : vector<16xf32>
      %add3A_759 = arith.addf %add3A_747, %mul3A_758 : vector<16xf32>
      %add3A_760 = arith.constant 8 : i32
      %add3A_761 = arith.addi %add3A_301, %add3A_760 : i32
      %get3A_762 = arith.index_cast %add3A_761 : i32 to index
      %get3A_763 = arith.constant 48 : index
      %get3A_764 = tpu.vector_load %arg11[%get3A_762, %get3A_763] {strides = array<i32>} : memref<512x64xf32, #tpu.memory_space<vmem>>, vector<16xf32>,
      %add3A_765 = arith.constant 8 : i32
      %add3A_766 = arith.addi %add3A_301, %add3A_765 : i32
      %get3A_767 = arith.index_cast %add3A_766 : i32 to index
      %get3A_768 = arith.constant 48 : index
      %get3A_769 = tpu.vector_load %arg12[%get3A_767, %get3A_768] {strides = array<i32>} : memref<512x64xf32, #tpu.memory_space<vmem>>, vector<16xf32>,
      %mul3A_770 = arith.mulf %get3A_764, %get3A_769 : vector<16xf32>
      %add3A_771 = arith.addf %add3A_759, %mul3A_770 : vector<16xf32>
      %mul3A_772 = arith.constant 16 : i32
      %mul3A_773 = vector.broadcast %mul3A_772 : i32 to vector<16xi32>
      %mul3A_774 = arith.muli %iota3A, %mul3A_773 : vector<16xi32>
      %add3A_775 = arith.constant 8 : i32
      %add3A_776 = vector.broadcast %add3A_775 : i32 to vector<16xi32>
      %add3A_777 = arith.addi %mul3A_774, %add3A_776 : vector<16xi32>
      tpu.vector_store_idx %arg16[%add3A_777], %add3A_771 : memref<256xf32, #tpu.memory_space<vmem>>[vector<16xi32>], vector<16xf32>,
      %add3A_778 = arith.constant 9 : i32
      %add3A_779 = arith.addi %add3A_301, %add3A_778 : i32
      %get3A_780 = arith.index_cast %add3A_779 : i32 to index
      %get3A_781 = arith.constant 0 : index
      %get3A_782 = tpu.vector_load %arg11[%get3A_780, %get3A_781] {strides = array<i32>} : memref<512x64xf32, #tpu.memory_space<vmem>>, vector<16xf32>,
      %add3A_783 = arith.constant 9 : i32
      %add3A_784 = arith.addi %add3A_301, %add3A_783 : i32
      %get3A_785 = arith.index_cast %add3A_784 : i32 to index
      %get3A_786 = arith.constant 0 : index
      %get3A_787 = tpu.vector_load %arg12[%get3A_785, %get3A_786] {strides = array<i32>} : memref<512x64xf32, #tpu.memory_space<vmem>>, vector<16xf32>,
      %mul3A_788 = arith.mulf %get3A_782, %get3A_787 : vector<16xf32>
      %add3A_789 = arith.constant 9 : i32
      %add3A_790 = arith.addi %add3A_301, %add3A_789 : i32
      %get3A_791 = arith.index_cast %add3A_790 : i32 to index
      %get3A_792 = arith.constant 16 : index
      %get3A_793 = tpu.vector_load %arg11[%get3A_791, %get3A_792] {strides = array<i32>} : memref<512x64xf32, #tpu.memory_space<vmem>>, vector<16xf32>,
      %add3A_794 = arith.constant 9 : i32
      %add3A_795 = arith.addi %add3A_301, %add3A_794 : i32
      %get3A_796 = arith.index_cast %add3A_795 : i32 to index
      %get3A_797 = arith.constant 16 : index
      %get3A_798 = tpu.vector_load %arg12[%get3A_796, %get3A_797] {strides = array<i32>} : memref<512x64xf32, #tpu.memory_space<vmem>>, vector<16xf32>,
      %mul3A_799 = arith.mulf %get3A_793, %get3A_798 : vector<16xf32>
      %add3A_800 = arith.addf %mul3A_788, %mul3A_799 : vector<16xf32>
      %add3A_801 = arith.constant 9 : i32
      %add3A_802 = arith.addi %add3A_301, %add3A_801 : i32
      %get3A_803 = arith.index_cast %add3A_802 : i32 to index
      %get3A_804 = arith.constant 32 : index
      %get3A_805 = tpu.vector_load %arg11[%get3A_803, %get3A_804] {strides = array<i32>} : memref<512x64xf32, #tpu.memory_space<vmem>>, vector<16xf32>,
      %add3A_806 = arith.constant 9 : i32
      %add3A_807 = arith.addi %add3A_301, %add3A_806 : i32
      %get3A_808 = arith.index_cast %add3A_807 : i32 to index
      %get3A_809 = arith.constant 32 : index
      %get3A_810 = tpu.vector_load %arg12[%get3A_808, %get3A_809] {strides = array<i32>} : memref<512x64xf32, #tpu.memory_space<vmem>>, vector<16xf32>,
      %mul3A_811 = arith.mulf %get3A_805, %get3A_810 : vector<16xf32>
      %add3A_812 = arith.addf %add3A_800, %mul3A_811 : vector<16xf32>
      %add3A_813 = arith.constant 9 : i32
      %add3A_814 = arith.addi %add3A_301, %add3A_813 : i32
      %get3A_815 = arith.index_cast %add3A_814 : i32 to index
      %get3A_816 = arith.constant 48 : index
      %get3A_817 = tpu.vector_load %arg11[%get3A_815, %get3A_816] {strides = array<i32>} : memref<512x64xf32, #tpu.memory_space<vmem>>, vector<16xf32>,
      %add3A_818 = arith.constant 9 : i32
      %add3A_819 = arith.addi %add3A_301, %add3A_818 : i32
      %get3A_820 = arith.index_cast %add3A_819 : i32 to index
      %get3A_821 = arith.constant 48 : index
      %get3A_822 = tpu.vector_load %arg12[%get3A_820, %get3A_821] {strides = array<i32>} : memref<512x64xf32, #tpu.memory_space<vmem>>, vector<16xf32>,
      %mul3A_823 = arith.mulf %get3A_817, %get3A_822 : vector<16xf32>
      %add3A_824 = arith.addf %add3A_812, %mul3A_823 : vector<16xf32>
      %mul3A_825 = arith.constant 16 : i32
      %mul3A_826 = vector.broadcast %mul3A_825 : i32 to vector<16xi32>
      %mul3A_827 = arith.muli %iota3A, %mul3A_826 : vector<16xi32>
      %add3A_828 = arith.constant 9 : i32
      %add3A_829 = vector.broadcast %add3A_828 : i32 to vector<16xi32>
      %add3A_830 = arith.addi %mul3A_827, %add3A_829 : vector<16xi32>
      tpu.vector_store_idx %arg16[%add3A_830], %add3A_824 : memref<256xf32, #tpu.memory_space<vmem>>[vector<16xi32>], vector<16xf32>,
      %add3A_831 = arith.constant 10 : i32
      %add3A_832 = arith.addi %add3A_301, %add3A_831 : i32
      %get3A_833 = arith.index_cast %add3A_832 : i32 to index
      %get3A_834 = arith.constant 0 : index
      %get3A_835 = tpu.vector_load %arg11[%get3A_833, %get3A_834] {strides = array<i32>} : memref<512x64xf32, #tpu.memory_space<vmem>>, vector<16xf32>,
      %add3A_836 = arith.constant 10 : i32
      %add3A_837 = arith.addi %add3A_301, %add3A_836 : i32
      %get3A_838 = arith.index_cast %add3A_837 : i32 to index
      %get3A_839 = arith.constant 0 : index
      %get3A_840 = tpu.vector_load %arg12[%get3A_838, %get3A_839] {strides = array<i32>} : memref<512x64xf32, #tpu.memory_space<vmem>>, vector<16xf32>,
      %mul3A_841 = arith.mulf %get3A_835, %get3A_840 : vector<16xf32>
      %add3A_842 = arith.constant 10 : i32
      %add3A_843 = arith.addi %add3A_301, %add3A_842 : i32
      %get3A_844 = arith.index_cast %add3A_843 : i32 to index
      %get3A_845 = arith.constant 16 : index
      %get3A_846 = tpu.vector_load %arg11[%get3A_844, %get3A_845] {strides = array<i32>} : memref<512x64xf32, #tpu.memory_space<vmem>>, vector<16xf32>,
      %add3A_847 = arith.constant 10 : i32
      %add3A_848 = arith.addi %add3A_301, %add3A_847 : i32
      %get3A_849 = arith.index_cast %add3A_848 : i32 to index
      %get3A_850 = arith.constant 16 : index
      %get3A_851 = tpu.vector_load %arg12[%get3A_849, %get3A_850] {strides = array<i32>} : memref<512x64xf32, #tpu.memory_space<vmem>>, vector<16xf32>,
      %mul3A_852 = arith.mulf %get3A_846, %get3A_851 : vector<16xf32>
      %add3A_853 = arith.addf %mul3A_841, %mul3A_852 : vector<16xf32>
      %add3A_854 = arith.constant 10 : i32
      %add3A_855 = arith.addi %add3A_301, %add3A_854 : i32
      %get3A_856 = arith.index_cast %add3A_855 : i32 to index
      %get3A_857 = arith.constant 32 : index
      %get3A_858 = tpu.vector_load %arg11[%get3A_856, %get3A_857] {strides = array<i32>} : memref<512x64xf32, #tpu.memory_space<vmem>>, vector<16xf32>,
      %add3A_859 = arith.constant 10 : i32
      %add3A_860 = arith.addi %add3A_301, %add3A_859 : i32
      %get3A_861 = arith.index_cast %add3A_860 : i32 to index
      %get3A_862 = arith.constant 32 : index
      %get3A_863 = tpu.vector_load %arg12[%get3A_861, %get3A_862] {strides = array<i32>} : memref<512x64xf32, #tpu.memory_space<vmem>>, vector<16xf32>,
      %mul3A_864 = arith.mulf %get3A_858, %get3A_863 : vector<16xf32>
      %add3A_865 = arith.addf %add3A_853, %mul3A_864 : vector<16xf32>
      %add3A_866 = arith.constant 10 : i32
      %add3A_867 = arith.addi %add3A_301, %add3A_866 : i32
      %get3A_868 = arith.index_cast %add3A_867 : i32 to index
      %get3A_869 = arith.constant 48 : index
      %get3A_870 = tpu.vector_load %arg11[%get3A_868, %get3A_869] {strides = array<i32>} : memref<512x64xf32, #tpu.memory_space<vmem>>, vector<16xf32>,
      %add3A_871 = arith.constant 10 : i32
      %add3A_872 = arith.addi %add3A_301, %add3A_871 : i32
      %get3A_873 = arith.index_cast %add3A_872 : i32 to index
      %get3A_874 = arith.constant 48 : index
      %get3A_875 = tpu.vector_load %arg12[%get3A_873, %get3A_874] {strides = array<i32>} : memref<512x64xf32, #tpu.memory_space<vmem>>, vector<16xf32>,
      %mul3A_876 = arith.mulf %get3A_870, %get3A_875 : vector<16xf32>
      %add3A_877 = arith.addf %add3A_865, %mul3A_876 : vector<16xf32>
      %mul3A_878 = arith.constant 16 : i32
      %mul3A_879 = vector.broadcast %mul3A_878 : i32 to vector<16xi32>
      %mul3A_880 = arith.muli %iota3A, %mul3A_879 : vector<16xi32>
      %add3A_881 = arith.constant 10 : i32
      %add3A_882 = vector.broadcast %add3A_881 : i32 to vector<16xi32>
      %add3A_883 = arith.addi %mul3A_880, %add3A_882 : vector<16xi32>
      tpu.vector_store_idx %arg16[%add3A_883], %add3A_877 : memref<256xf32, #tpu.memory_space<vmem>>[vector<16xi32>], vector<16xf32>,
      %add3A_884 = arith.constant 11 : i32
      %add3A_885 = arith.addi %add3A_301, %add3A_884 : i32
      %get3A_886 = arith.index_cast %add3A_885 : i32 to index
      %get3A_887 = arith.constant 0 : index
      %get3A_888 = tpu.vector_load %arg11[%get3A_886, %get3A_887] {strides = array<i32>} : memref<512x64xf32, #tpu.memory_space<vmem>>, vector<16xf32>,
      %add3A_889 = arith.constant 11 : i32
      %add3A_890 = arith.addi %add3A_301, %add3A_889 : i32
      %get3A_891 = arith.index_cast %add3A_890 : i32 to index
      %get3A_892 = arith.constant 0 : index
      %get3A_893 = tpu.vector_load %arg12[%get3A_891, %get3A_892] {strides = array<i32>} : memref<512x64xf32, #tpu.memory_space<vmem>>, vector<16xf32>,
      %mul3A_894 = arith.mulf %get3A_888, %get3A_893 : vector<16xf32>
      %add3A_895 = arith.constant 11 : i32
      %add3A_896 = arith.addi %add3A_301, %add3A_895 : i32
      %get3A_897 = arith.index_cast %add3A_896 : i32 to index
      %get3A_898 = arith.constant 16 : index
      %get3A_899 = tpu.vector_load %arg11[%get3A_897, %get3A_898] {strides = array<i32>} : memref<512x64xf32, #tpu.memory_space<vmem>>, vector<16xf32>,
      %add3A_900 = arith.constant 11 : i32
      %add3A_901 = arith.addi %add3A_301, %add3A_900 : i32
      %get3A_902 = arith.index_cast %add3A_901 : i32 to index
      %get3A_903 = arith.constant 16 : index
      %get3A_904 = tpu.vector_load %arg12[%get3A_902, %get3A_903] {strides = array<i32>} : memref<512x64xf32, #tpu.memory_space<vmem>>, vector<16xf32>,
      %mul3A_905 = arith.mulf %get3A_899, %get3A_904 : vector<16xf32>
      %add3A_906 = arith.addf %mul3A_894, %mul3A_905 : vector<16xf32>
      %add3A_907 = arith.constant 11 : i32
      %add3A_908 = arith.addi %add3A_301, %add3A_907 : i32
      %get3A_909 = arith.index_cast %add3A_908 : i32 to index
      %get3A_910 = arith.constant 32 : index
      %get3A_911 = tpu.vector_load %arg11[%get3A_909, %get3A_910] {strides = array<i32>} : memref<512x64xf32, #tpu.memory_space<vmem>>, vector<16xf32>,
      %add3A_912 = arith.constant 11 : i32
      %add3A_913 = arith.addi %add3A_301, %add3A_912 : i32
      %get3A_914 = arith.index_cast %add3A_913 : i32 to index
      %get3A_915 = arith.constant 32 : index
      %get3A_916 = tpu.vector_load %arg12[%get3A_914, %get3A_915] {strides = array<i32>} : memref<512x64xf32, #tpu.memory_space<vmem>>, vector<16xf32>,
      %mul3A_917 = arith.mulf %get3A_911, %get3A_916 : vector<16xf32>
      %add3A_918 = arith.addf %add3A_906, %mul3A_917 : vector<16xf32>
      %add3A_919 = arith.constant 11 : i32
      %add3A_920 = arith.addi %add3A_301, %add3A_919 : i32
      %get3A_921 = arith.index_cast %add3A_920 : i32 to index
      %get3A_922 = arith.constant 48 : index
      %get3A_923 = tpu.vector_load %arg11[%get3A_921, %get3A_922] {strides = array<i32>} : memref<512x64xf32, #tpu.memory_space<vmem>>, vector<16xf32>,
      %add3A_924 = arith.constant 11 : i32
      %add3A_925 = arith.addi %add3A_301, %add3A_924 : i32
      %get3A_926 = arith.index_cast %add3A_925 : i32 to index
      %get3A_927 = arith.constant 48 : index
      %get3A_928 = tpu.vector_load %arg12[%get3A_926, %get3A_927] {strides = array<i32>} : memref<512x64xf32, #tpu.memory_space<vmem>>, vector<16xf32>,
      %mul3A_929 = arith.mulf %get3A_923, %get3A_928 : vector<16xf32>
      %add3A_930 = arith.addf %add3A_918, %mul3A_929 : vector<16xf32>
      %mul3A_931 = arith.constant 16 : i32
      %mul3A_932 = vector.broadcast %mul3A_931 : i32 to vector<16xi32>
      %mul3A_933 = arith.muli %iota3A, %mul3A_932 : vector<16xi32>
      %add3A_934 = arith.constant 11 : i32
      %add3A_935 = vector.broadcast %add3A_934 : i32 to vector<16xi32>
      %add3A_936 = arith.addi %mul3A_933, %add3A_935 : vector<16xi32>
      tpu.vector_store_idx %arg16[%add3A_936], %add3A_930 : memref<256xf32, #tpu.memory_space<vmem>>[vector<16xi32>], vector<16xf32>,
      %add3A_937 = arith.constant 12 : i32
      %add3A_938 = arith.addi %add3A_301, %add3A_937 : i32
      %get3A_939 = arith.index_cast %add3A_938 : i32 to index
      %get3A_940 = arith.constant 0 : index
      %get3A_941 = tpu.vector_load %arg11[%get3A_939, %get3A_940] {strides = array<i32>} : memref<512x64xf32, #tpu.memory_space<vmem>>, vector<16xf32>,
      %add3A_942 = arith.constant 12 : i32
      %add3A_943 = arith.addi %add3A_301, %add3A_942 : i32
      %get3A_944 = arith.index_cast %add3A_943 : i32 to index
      %get3A_945 = arith.constant 0 : index
      %get3A_946 = tpu.vector_load %arg12[%get3A_944, %get3A_945] {strides = array<i32>} : memref<512x64xf32, #tpu.memory_space<vmem>>, vector<16xf32>,
      %mul3A_947 = arith.mulf %get3A_941, %get3A_946 : vector<16xf32>
      %add3A_948 = arith.constant 12 : i32
      %add3A_949 = arith.addi %add3A_301, %add3A_948 : i32
      %get3A_950 = arith.index_cast %add3A_949 : i32 to index
      %get3A_951 = arith.constant 16 : index
      %get3A_952 = tpu.vector_load %arg11[%get3A_950, %get3A_951] {strides = array<i32>} : memref<512x64xf32, #tpu.memory_space<vmem>>, vector<16xf32>,
      %add3A_953 = arith.constant 12 : i32
      %add3A_954 = arith.addi %add3A_301, %add3A_953 : i32
      %get3A_955 = arith.index_cast %add3A_954 : i32 to index
      %get3A_956 = arith.constant 16 : index
      %get3A_957 = tpu.vector_load %arg12[%get3A_955, %get3A_956] {strides = array<i32>} : memref<512x64xf32, #tpu.memory_space<vmem>>, vector<16xf32>,
      %mul3A_958 = arith.mulf %get3A_952, %get3A_957 : vector<16xf32>
      %add3A_959 = arith.addf %mul3A_947, %mul3A_958 : vector<16xf32>
      %add3A_960 = arith.constant 12 : i32
      %add3A_961 = arith.addi %add3A_301, %add3A_960 : i32
      %get3A_962 = arith.index_cast %add3A_961 : i32 to index
      %get3A_963 = arith.constant 32 : index
      %get3A_964 = tpu.vector_load %arg11[%get3A_962, %get3A_963] {strides = array<i32>} : memref<512x64xf32, #tpu.memory_space<vmem>>, vector<16xf32>,
      %add3A_965 = arith.constant 12 : i32
      %add3A_966 = arith.addi %add3A_301, %add3A_965 : i32
      %get3A_967 = arith.index_cast %add3A_966 : i32 to index
      %get3A_968 = arith.constant 32 : index
      %get3A_969 = tpu.vector_load %arg12[%get3A_967, %get3A_968] {strides = array<i32>} : memref<512x64xf32, #tpu.memory_space<vmem>>, vector<16xf32>,
      %mul3A_970 = arith.mulf %get3A_964, %get3A_969 : vector<16xf32>
      %add3A_971 = arith.addf %add3A_959, %mul3A_970 : vector<16xf32>
      %add3A_972 = arith.constant 12 : i32
      %add3A_973 = arith.addi %add3A_301, %add3A_972 : i32
      %get3A_974 = arith.index_cast %add3A_973 : i32 to index
      %get3A_975 = arith.constant 48 : index
      %get3A_976 = tpu.vector_load %arg11[%get3A_974, %get3A_975] {strides = array<i32>} : memref<512x64xf32, #tpu.memory_space<vmem>>, vector<16xf32>,
      %add3A_977 = arith.constant 12 : i32
      %add3A_978 = arith.addi %add3A_301, %add3A_977 : i32
      %get3A_979 = arith.index_cast %add3A_978 : i32 to index
      %get3A_980 = arith.constant 48 : index
      %get3A_981 = tpu.vector_load %arg12[%get3A_979, %get3A_980] {strides = array<i32>} : memref<512x64xf32, #tpu.memory_space<vmem>>, vector<16xf32>,
      %mul3A_982 = arith.mulf %get3A_976, %get3A_981 : vector<16xf32>
      %add3A_983 = arith.addf %add3A_971, %mul3A_982 : vector<16xf32>
      %mul3A_984 = arith.constant 16 : i32
      %mul3A_985 = vector.broadcast %mul3A_984 : i32 to vector<16xi32>
      %mul3A_986 = arith.muli %iota3A, %mul3A_985 : vector<16xi32>
      %add3A_987 = arith.constant 12 : i32
      %add3A_988 = vector.broadcast %add3A_987 : i32 to vector<16xi32>
      %add3A_989 = arith.addi %mul3A_986, %add3A_988 : vector<16xi32>
      tpu.vector_store_idx %arg16[%add3A_989], %add3A_983 : memref<256xf32, #tpu.memory_space<vmem>>[vector<16xi32>], vector<16xf32>,
      %add3A_990 = arith.constant 13 : i32
      %add3A_991 = arith.addi %add3A_301, %add3A_990 : i32
      %get3A_992 = arith.index_cast %add3A_991 : i32 to index
      %get3A_993 = arith.constant 0 : index
      %get3A_994 = tpu.vector_load %arg11[%get3A_992, %get3A_993] {strides = array<i32>} : memref<512x64xf32, #tpu.memory_space<vmem>>, vector<16xf32>,
      %add3A_995 = arith.constant 13 : i32
      %add3A_996 = arith.addi %add3A_301, %add3A_995 : i32
      %get3A_997 = arith.index_cast %add3A_996 : i32 to index
      %get3A_998 = arith.constant 0 : index
      %get3A_999 = tpu.vector_load %arg12[%get3A_997, %get3A_998] {strides = array<i32>} : memref<512x64xf32, #tpu.memory_space<vmem>>, vector<16xf32>,
      %mul3A_1000 = arith.mulf %get3A_994, %get3A_999 : vector<16xf32>
      %add3A_1001 = arith.constant 13 : i32
      %add3A_1002 = arith.addi %add3A_301, %add3A_1001 : i32
      %get3A_1003 = arith.index_cast %add3A_1002 : i32 to index
      %get3A_1004 = arith.constant 16 : index
      %get3A_1005 = tpu.vector_load %arg11[%get3A_1003, %get3A_1004] {strides = array<i32>} : memref<512x64xf32, #tpu.memory_space<vmem>>, vector<16xf32>,
      %add3A_1006 = arith.constant 13 : i32
      %add3A_1007 = arith.addi %add3A_301, %add3A_1006 : i32
      %get3A_1008 = arith.index_cast %add3A_1007 : i32 to index
      %get3A_1009 = arith.constant 16 : index
      %get3A_1010 = tpu.vector_load %arg12[%get3A_1008, %get3A_1009] {strides = array<i32>} : memref<512x64xf32, #tpu.memory_space<vmem>>, vector<16xf32>,
      %mul3A_1011 = arith.mulf %get3A_1005, %get3A_1010 : vector<16xf32>
      %add3A_1012 = arith.addf %mul3A_1000, %mul3A_1011 : vector<16xf32>
      %add3A_1013 = arith.constant 13 : i32
      %add3A_1014 = arith.addi %add3A_301, %add3A_1013 : i32
      %get3A_1015 = arith.index_cast %add3A_1014 : i32 to index
      %get3A_1016 = arith.constant 32 : index
      %get3A_1017 = tpu.vector_load %arg11[%get3A_1015, %get3A_1016] {strides = array<i32>} : memref<512x64xf32, #tpu.memory_space<vmem>>, vector<16xf32>,
      %add3A_1018 = arith.constant 13 : i32
      %add3A_1019 = arith.addi %add3A_301, %add3A_1018 : i32
      %get3A_1020 = arith.index_cast %add3A_1019 : i32 to index
      %get3A_1021 = arith.constant 32 : index
      %get3A_1022 = tpu.vector_load %arg12[%get3A_1020, %get3A_1021] {strides = array<i32>} : memref<512x64xf32, #tpu.memory_space<vmem>>, vector<16xf32>,
      %mul3A_1023 = arith.mulf %get3A_1017, %get3A_1022 : vector<16xf32>
      %add3A_1024 = arith.addf %add3A_1012, %mul3A_1023 : vector<16xf32>
      %add3A_1025 = arith.constant 13 : i32
      %add3A_1026 = arith.addi %add3A_301, %add3A_1025 : i32
      %get3A_1027 = arith.index_cast %add3A_1026 : i32 to index
      %get3A_1028 = arith.constant 48 : index
      %get3A_1029 = tpu.vector_load %arg11[%get3A_1027, %get3A_1028] {strides = array<i32>} : memref<512x64xf32, #tpu.memory_space<vmem>>, vector<16xf32>,
      %add3A_1030 = arith.constant 13 : i32
      %add3A_1031 = arith.addi %add3A_301, %add3A_1030 : i32
      %get3A_1032 = arith.index_cast %add3A_1031 : i32 to index
      %get3A_1033 = arith.constant 48 : index
      %get3A_1034 = tpu.vector_load %arg12[%get3A_1032, %get3A_1033] {strides = array<i32>} : memref<512x64xf32, #tpu.memory_space<vmem>>, vector<16xf32>,
      %mul3A_1035 = arith.mulf %get3A_1029, %get3A_1034 : vector<16xf32>
      %add3A_1036 = arith.addf %add3A_1024, %mul3A_1035 : vector<16xf32>
      %mul3A_1037 = arith.constant 16 : i32
      %mul3A_1038 = vector.broadcast %mul3A_1037 : i32 to vector<16xi32>
      %mul3A_1039 = arith.muli %iota3A, %mul3A_1038 : vector<16xi32>
      %add3A_1040 = arith.constant 13 : i32
      %add3A_1041 = vector.broadcast %add3A_1040 : i32 to vector<16xi32>
      %add3A_1042 = arith.addi %mul3A_1039, %add3A_1041 : vector<16xi32>
      tpu.vector_store_idx %arg16[%add3A_1042], %add3A_1036 : memref<256xf32, #tpu.memory_space<vmem>>[vector<16xi32>], vector<16xf32>,
      %add3A_1043 = arith.constant 14 : i32
      %add3A_1044 = arith.addi %add3A_301, %add3A_1043 : i32
      %get3A_1045 = arith.index_cast %add3A_1044 : i32 to index
      %get3A_1046 = arith.constant 0 : index
      %get3A_1047 = tpu.vector_load %arg11[%get3A_1045, %get3A_1046] {strides = array<i32>} : memref<512x64xf32, #tpu.memory_space<vmem>>, vector<16xf32>,
      %add3A_1048 = arith.constant 14 : i32
      %add3A_1049 = arith.addi %add3A_301, %add3A_1048 : i32
      %get3A_1050 = arith.index_cast %add3A_1049 : i32 to index
      %get3A_1051 = arith.constant 0 : index
      %get3A_1052 = tpu.vector_load %arg12[%get3A_1050, %get3A_1051] {strides = array<i32>} : memref<512x64xf32, #tpu.memory_space<vmem>>, vector<16xf32>,
      %mul3A_1053 = arith.mulf %get3A_1047, %get3A_1052 : vector<16xf32>
      %add3A_1054 = arith.constant 14 : i32
      %add3A_1055 = arith.addi %add3A_301, %add3A_1054 : i32
      %get3A_1056 = arith.index_cast %add3A_1055 : i32 to index
      %get3A_1057 = arith.constant 16 : index
      %get3A_1058 = tpu.vector_load %arg11[%get3A_1056, %get3A_1057] {strides = array<i32>} : memref<512x64xf32, #tpu.memory_space<vmem>>, vector<16xf32>,
      %add3A_1059 = arith.constant 14 : i32
      %add3A_1060 = arith.addi %add3A_301, %add3A_1059 : i32
      %get3A_1061 = arith.index_cast %add3A_1060 : i32 to index
      %get3A_1062 = arith.constant 16 : index
      %get3A_1063 = tpu.vector_load %arg12[%get3A_1061, %get3A_1062] {strides = array<i32>} : memref<512x64xf32, #tpu.memory_space<vmem>>, vector<16xf32>,
      %mul3A_1064 = arith.mulf %get3A_1058, %get3A_1063 : vector<16xf32>
      %add3A_1065 = arith.addf %mul3A_1053, %mul3A_1064 : vector<16xf32>
      %add3A_1066 = arith.constant 14 : i32
      %add3A_1067 = arith.addi %add3A_301, %add3A_1066 : i32
      %get3A_1068 = arith.index_cast %add3A_1067 : i32 to index
      %get3A_1069 = arith.constant 32 : index
      %get3A_1070 = tpu.vector_load %arg11[%get3A_1068, %get3A_1069] {strides = array<i32>} : memref<512x64xf32, #tpu.memory_space<vmem>>, vector<16xf32>,
      %add3A_1071 = arith.constant 14 : i32
      %add3A_1072 = arith.addi %add3A_301, %add3A_1071 : i32
      %get3A_1073 = arith.index_cast %add3A_1072 : i32 to index
      %get3A_1074 = arith.constant 32 : index
      %get3A_1075 = tpu.vector_load %arg12[%get3A_1073, %get3A_1074] {strides = array<i32>} : memref<512x64xf32, #tpu.memory_space<vmem>>, vector<16xf32>,
      %mul3A_1076 = arith.mulf %get3A_1070, %get3A_1075 : vector<16xf32>
      %add3A_1077 = arith.addf %add3A_1065, %mul3A_1076 : vector<16xf32>
      %add3A_1078 = arith.constant 14 : i32
      %add3A_1079 = arith.addi %add3A_301, %add3A_1078 : i32
      %get3A_1080 = arith.index_cast %add3A_1079 : i32 to index
      %get3A_1081 = arith.constant 48 : index
      %get3A_1082 = tpu.vector_load %arg11[%get3A_1080, %get3A_1081] {strides = array<i32>} : memref<512x64xf32, #tpu.memory_space<vmem>>, vector<16xf32>,
      %add3A_1083 = arith.constant 14 : i32
      %add3A_1084 = arith.addi %add3A_301, %add3A_1083 : i32
      %get3A_1085 = arith.index_cast %add3A_1084 : i32 to index
      %get3A_1086 = arith.constant 48 : index
      %get3A_1087 = tpu.vector_load %arg12[%get3A_1085, %get3A_1086] {strides = array<i32>} : memref<512x64xf32, #tpu.memory_space<vmem>>, vector<16xf32>,
      %mul3A_1088 = arith.mulf %get3A_1082, %get3A_1087 : vector<16xf32>
      %add3A_1089 = arith.addf %add3A_1077, %mul3A_1088 : vector<16xf32>
      %mul3A_1090 = arith.constant 16 : i32
      %mul3A_1091 = vector.broadcast %mul3A_1090 : i32 to vector<16xi32>
      %mul3A_1092 = arith.muli %iota3A, %mul3A_1091 : vector<16xi32>
      %add3A_1093 = arith.constant 14 : i32
      %add3A_1094 = vector.broadcast %add3A_1093 : i32 to vector<16xi32>
      %add3A_1095 = arith.addi %mul3A_1092, %add3A_1094 : vector<16xi32>
      tpu.vector_store_idx %arg16[%add3A_1095], %add3A_1089 : memref<256xf32, #tpu.memory_space<vmem>>[vector<16xi32>], vector<16xf32>,
      %add3A_1096 = arith.constant 15 : i32
      %add3A_1097 = arith.addi %add3A_301, %add3A_1096 : i32
      %get3A_1098 = arith.index_cast %add3A_1097 : i32 to index
      %get3A_1099 = arith.constant 0 : index
      %get3A_1100 = tpu.vector_load %arg11[%get3A_1098, %get3A_1099] {strides = array<i32>} : memref<512x64xf32, #tpu.memory_space<vmem>>, vector<16xf32>,
      %add3A_1101 = arith.constant 15 : i32
      %add3A_1102 = arith.addi %add3A_301, %add3A_1101 : i32
      %get3A_1103 = arith.index_cast %add3A_1102 : i32 to index
      %get3A_1104 = arith.constant 0 : index
      %get3A_1105 = tpu.vector_load %arg12[%get3A_1103, %get3A_1104] {strides = array<i32>} : memref<512x64xf32, #tpu.memory_space<vmem>>, vector<16xf32>,
      %mul3A_1106 = arith.mulf %get3A_1100, %get3A_1105 : vector<16xf32>
      %add3A_1107 = arith.constant 15 : i32
      %add3A_1108 = arith.addi %add3A_301, %add3A_1107 : i32
      %get3A_1109 = arith.index_cast %add3A_1108 : i32 to index
      %get3A_1110 = arith.constant 16 : index
      %get3A_1111 = tpu.vector_load %arg11[%get3A_1109, %get3A_1110] {strides = array<i32>} : memref<512x64xf32, #tpu.memory_space<vmem>>, vector<16xf32>,
      %add3A_1112 = arith.constant 15 : i32
      %add3A_1113 = arith.addi %add3A_301, %add3A_1112 : i32
      %get3A_1114 = arith.index_cast %add3A_1113 : i32 to index
      %get3A_1115 = arith.constant 16 : index
      %get3A_1116 = tpu.vector_load %arg12[%get3A_1114, %get3A_1115] {strides = array<i32>} : memref<512x64xf32, #tpu.memory_space<vmem>>, vector<16xf32>,
      %mul3A_1117 = arith.mulf %get3A_1111, %get3A_1116 : vector<16xf32>
      %add3A_1118 = arith.addf %mul3A_1106, %mul3A_1117 : vector<16xf32>
      %add3A_1119 = arith.constant 15 : i32
      %add3A_1120 = arith.addi %add3A_301, %add3A_1119 : i32
      %get3A_1121 = arith.index_cast %add3A_1120 : i32 to index
      %get3A_1122 = arith.constant 32 : index
      %get3A_1123 = tpu.vector_load %arg11[%get3A_1121, %get3A_1122] {strides = array<i32>} : memref<512x64xf32, #tpu.memory_space<vmem>>, vector<16xf32>,
      %add3A_1124 = arith.constant 15 : i32
      %add3A_1125 = arith.addi %add3A_301, %add3A_1124 : i32
      %get3A_1126 = arith.index_cast %add3A_1125 : i32 to index
      %get3A_1127 = arith.constant 32 : index
      %get3A_1128 = tpu.vector_load %arg12[%get3A_1126, %get3A_1127] {strides = array<i32>} : memref<512x64xf32, #tpu.memory_space<vmem>>, vector<16xf32>,
      %mul3A_1129 = arith.mulf %get3A_1123, %get3A_1128 : vector<16xf32>
      %add3A_1130 = arith.addf %add3A_1118, %mul3A_1129 : vector<16xf32>
      %add3A_1131 = arith.constant 15 : i32
      %add3A_1132 = arith.addi %add3A_301, %add3A_1131 : i32
      %get3A_1133 = arith.index_cast %add3A_1132 : i32 to index
      %get3A_1134 = arith.constant 48 : index
      %get3A_1135 = tpu.vector_load %arg11[%get3A_1133, %get3A_1134] {strides = array<i32>} : memref<512x64xf32, #tpu.memory_space<vmem>>, vector<16xf32>,
      %add3A_1136 = arith.constant 15 : i32
      %add3A_1137 = arith.addi %add3A_301, %add3A_1136 : i32
      %get3A_1138 = arith.index_cast %add3A_1137 : i32 to index
      %get3A_1139 = arith.constant 48 : index
      %get3A_1140 = tpu.vector_load %arg12[%get3A_1138, %get3A_1139] {strides = array<i32>} : memref<512x64xf32, #tpu.memory_space<vmem>>, vector<16xf32>,
      %mul3A_1141 = arith.mulf %get3A_1135, %get3A_1140 : vector<16xf32>
      %add3A_1142 = arith.addf %add3A_1130, %mul3A_1141 : vector<16xf32>
      %mul3A_1143 = arith.constant 16 : i32
      %mul3A_1144 = vector.broadcast %mul3A_1143 : i32 to vector<16xi32>
      %mul3A_1145 = arith.muli %iota3A, %mul3A_1144 : vector<16xi32>
      %add3A_1146 = arith.constant 15 : i32
      %add3A_1147 = vector.broadcast %add3A_1146 : i32 to vector<16xi32>
      %add3A_1148 = arith.addi %mul3A_1145, %add3A_1147 : vector<16xi32>
      tpu.vector_store_idx %arg16[%add3A_1148], %add3A_1142 : memref<256xf32, #tpu.memory_space<vmem>>[vector<16xi32>], vector<16xf32>,
      %get3A_1149 = arith.index_cast %add3A_301 : i32 to index
      %get3A_1150 = tpu.vector_load %arg13[%get3A_1149] {strides = array<i32>} : memref<512xf32, #tpu.memory_space<vmem>>, vector<16xf32>,
      %get3A_1151 = arith.index_cast %add3A_301 : i32 to index
      %get3A_1152 = tpu.vector_load %arg14[%get3A_1151] {strides = array<i32>} : memref<512xf32, #tpu.memory_space<vmem>>, vector<16xf32>,
      %add3A_1153 = arith.addf %get3A_1150, %get3A_1152 : vector<16xf32>
      %get3A_1154 = arith.constant 0 : index
      %get3A_1155 = tpu.vector_load %arg16[%get3A_1154] {strides = array<i32>} : memref<256xf32, #tpu.memory_space<vmem>>, vector<16xf32>,
      %add3A_1156 = arith.addf %add3A_1153, %get3A_1155 : vector<16xf32>
      %get3A_1157 = arith.constant 16 : index
      %get3A_1158 = tpu.vector_load %arg16[%get3A_1157] {strides = array<i32>} : memref<256xf32, #tpu.memory_space<vmem>>, vector<16xf32>,
      %add3A_1159 = arith.addf %add3A_1156, %get3A_1158 : vector<16xf32>
      %get3A_1160 = arith.constant 32 : index
      %get3A_1161 = tpu.vector_load %arg16[%get3A_1160] {strides = array<i32>} : memref<256xf32, #tpu.memory_space<vmem>>, vector<16xf32>,
      %add3A_1162 = arith.addf %add3A_1159, %get3A_1161 : vector<16xf32>
      %get3A_1163 = arith.constant 48 : index
      %get3A_1164 = tpu.vector_load %arg16[%get3A_1163] {strides = array<i32>} : memref<256xf32, #tpu.memory_space<vmem>>, vector<16xf32>,
      %add3A_1165 = arith.addf %add3A_1162, %get3A_1164 : vector<16xf32>
      %get3A_1166 = arith.constant 64 : index
      %get3A_1167 = tpu.vector_load %arg16[%get3A_1166] {strides = array<i32>} : memref<256xf32, #tpu.memory_space<vmem>>, vector<16xf32>,
      %add3A_1168 = arith.addf %add3A_1165, %get3A_1167 : vector<16xf32>
      %get3A_1169 = arith.constant 80 : index
      %get3A_1170 = tpu.vector_load %arg16[%get3A_1169] {strides = array<i32>} : memref<256xf32, #tpu.memory_space<vmem>>, vector<16xf32>,
      %add3A_1171 = arith.addf %add3A_1168, %get3A_1170 : vector<16xf32>
      %get3A_1172 = arith.constant 96 : index
      %get3A_1173 = tpu.vector_load %arg16[%get3A_1172] {strides = array<i32>} : memref<256xf32, #tpu.memory_space<vmem>>, vector<16xf32>,
      %add3A_1174 = arith.addf %add3A_1171, %get3A_1173 : vector<16xf32>
      %get3A_1175 = arith.constant 112 : index
      %get3A_1176 = tpu.vector_load %arg16[%get3A_1175] {strides = array<i32>} : memref<256xf32, #tpu.memory_space<vmem>>, vector<16xf32>,
      %add3A_1177 = arith.addf %add3A_1174, %get3A_1176 : vector<16xf32>
      %get3A_1178 = arith.constant 128 : index
      %get3A_1179 = tpu.vector_load %arg16[%get3A_1178] {strides = array<i32>} : memref<256xf32, #tpu.memory_space<vmem>>, vector<16xf32>,
      %add3A_1180 = arith.addf %add3A_1177, %get3A_1179 : vector<16xf32>
      %get3A_1181 = arith.constant 144 : index
      %get3A_1182 = tpu.vector_load %arg16[%get3A_1181] {strides = array<i32>} : memref<256xf32, #tpu.memory_space<vmem>>, vector<16xf32>,
      %add3A_1183 = arith.addf %add3A_1180, %get3A_1182 : vector<16xf32>
      %get3A_1184 = arith.constant 160 : index
      %get3A_1185 = tpu.vector_load %arg16[%get3A_1184] {strides = array<i32>} : memref<256xf32, #tpu.memory_space<vmem>>, vector<16xf32>,
      %add3A_1186 = arith.addf %add3A_1183, %get3A_1185 : vector<16xf32>
      %get3A_1187 = arith.constant 176 : index
      %get3A_1188 = tpu.vector_load %arg16[%get3A_1187] {strides = array<i32>} : memref<256xf32, #tpu.memory_space<vmem>>, vector<16xf32>,
      %add3A_1189 = arith.addf %add3A_1186, %get3A_1188 : vector<16xf32>
      %get3A_1190 = arith.constant 192 : index
      %get3A_1191 = tpu.vector_load %arg16[%get3A_1190] {strides = array<i32>} : memref<256xf32, #tpu.memory_space<vmem>>, vector<16xf32>,
      %add3A_1192 = arith.addf %add3A_1189, %get3A_1191 : vector<16xf32>
      %get3A_1193 = arith.constant 208 : index
      %get3A_1194 = tpu.vector_load %arg16[%get3A_1193] {strides = array<i32>} : memref<256xf32, #tpu.memory_space<vmem>>, vector<16xf32>,
      %add3A_1195 = arith.addf %add3A_1192, %get3A_1194 : vector<16xf32>
      %get3A_1196 = arith.constant 224 : index
      %get3A_1197 = tpu.vector_load %arg16[%get3A_1196] {strides = array<i32>} : memref<256xf32, #tpu.memory_space<vmem>>, vector<16xf32>,
      %add3A_1198 = arith.addf %add3A_1195, %get3A_1197 : vector<16xf32>
      %get3A_1199 = arith.constant 240 : index
      %get3A_1200 = tpu.vector_load %arg16[%get3A_1199] {strides = array<i32>} : memref<256xf32, #tpu.memory_space<vmem>>, vector<16xf32>,
      %add3A_1201 = arith.addf %add3A_1198, %get3A_1200 : vector<16xf32>
      %swap3A = arith.index_cast %add3A_301 : i32 to index
      %swap3A_1202 = tpu.vector_load %arg15[%swap3A] {strides = array<i32>} : memref<512xf32, #tpu.memory_space<vmem>>, vector<16xf32>,
      tpu.vector_store %arg15[%swap3A], %add3A_1201 {strides = array<i32>} : memref<512xf32, #tpu.memory_space<vmem>>, vector<16xf32>,
    }
    %scan3A_296 = arith.constant 32 : i32
    "tpu.region"() ({
      %run_scoped3A = tpu.sem_alloc : memref<!tpu.dma_semaphore, #tpu.memory_space<semaphore_mem>>
      %dma_start3A_297 = tpu.memref_slice %arg8[%mul3A_2] : memref<16384xf32, #tpu.memory_space<hbm>> -> memref<512xf32, #tpu.memory_space<hbm>>
      %dma_start3A_298 = tpu.memref_slice %arg8[%mul3A_2] : memref<16384xf32, #tpu.memory_space<hbm>> -> memref<512xf32, #tpu.memory_space<hbm>>
      tpu.enqueue_dma source(%arg15 : memref<512xf32, #tpu.memory_space<vmem>>) target(%dma_start3A_298 : memref<512xf32, #tpu.memory_space<hbm>>) target_semaphore(%run_scoped3A : memref<!tpu.dma_semaphore, #tpu.memory_space<semaphore_mem>>)
      %dma_wait3A_299 = tpu.memref_slice %arg8[%mul3A_2] : memref<16384xf32, #tpu.memory_space<hbm>> -> memref<512xf32, #tpu.memory_space<hbm>>
      %dma_wait3A_300 = tpu.memref_slice %arg8[%mul3A_2] : memref<16384xf32, #tpu.memory_space<hbm>> -> memref<512xf32, #tpu.memory_space<hbm>>
      tpu.wait_dma2 semaphore(%run_scoped3A : memref<!tpu.dma_semaphore, #tpu.memory_space<semaphore_mem>>) src(%arg15 : memref<512xf32, #tpu.memory_space<vmem>>) dst(%dma_wait3A_300 : memref<512xf32, #tpu.memory_space<hbm>>)
      tpu.yield
    }) : () -> ()
    return
  }
}

</mosaic_0001>

<sc_bundles>
// kernel: kernel.3.cloned.1.call-start
scs
__scs_entry_jumppad:
0x0: {  	(pc) =	sbr.rel $0x88, $3  }
0x1: {  	(tag) =	ssettag $0x0;
	lr =	simm.s32 $0x1  }
0x2: {  	[smem:$0x3F9B] =	sst lr;
	_ =	strace $0xD0000000  }
0x3: {  	_ = 	snop  }
0x4: {  	_ = 	snop  }
0x5: {  	_ = 	snop  }
0x6: {  	_ = 	snop  }
0x7: {  	_ = 	snop  }
__scs_overlays_trampoline_lowered:
0x8: {  	[smem:$0x3FAA] =	sst s0  }
0x9: {  	[smem:$0x3FAB] =	sst s1  }
0xa: {  	[smem:$0x3FAC] =	sst s2  }
0xb: {  	[smem:$0x3FAD] =	sst s3  }
0xc: {  	[smem:$0x3FAE] =	sst s4  }
0xd: {  	[smem:$0x3FAF] =	sst s5  }
0xe: {  	[smem:$0x3FB0] =	sst s6  }
0xf: {  	[smem:$0x3FB1] =	sst s7  }
0x10: {  	[smem:$0x3FB2] =	sst s8  }
0x11: {  	[smem:$0x3FB3] =	sst s9;
	s0 =	simm.s32 @!p0 $0x0  }
0x12: {  	s1 =	sld [smem:$0x3F99];
	s0 =	simm.s32 @p0 $0x1  }
0x13: {  	[smem:$0x3FB4] =	sst s0;
	s0 =	simm.s32 @!p1 $0x0  }
0x14: {  	s2 =	sld [smem:$0x3F98];
	s0 =	simm.s32 @p1 $0x1  }
0x15: {  	[smem:$0x3FB5] =	sst s0;
	s0 =	simm.s32 @!p2 $0x0  }
0x16: {  	s3 =	sld [smem:$0x3FDB];
	s0 =	simm.s32 @p2 $0x1  }
0x17: {  	s4 =	simm.s32 $0x1BF5;
	[smem:$0x3FB7] =	sst s0  }
0x18: {  	s0 =	sld [smem:$0x3F9A];
	_ =	swait.ge [sflag:s4], $0x0  }
0x19: {  	s7 =	sld [smem:$0x3F9B]  }
0x1a: {  	s8 =	sadd.s32 $0xFFFFE003, lr  }
0x1b: {  	s9 =	sadd.s32 $0xFFFFFEF7, lr;
	s5 =	simm.s32 $0xFFFFFFFF;
	p2 =	slt.u32 s8, $0xFFFFF086  }
0x1c: {  	p1 =	slt.u32 s9, $0xF7A;
	s5 =	simm.s32 @!p2 $0x0  }
0x1d: {  	s5 =	simm.s32 @p1 $0x1;
	p0 =	seq.s32 s7, s2  }
0x1e: {  	s7 =	smul.u32 @!p0 $0xF7A, s2;
	p2 =	seq.s32 @!p0 s5, $0x0  }
0x1f: {  	s9 =	smul.u32 $0xF7A, s1;
	s8 =	simm.s32 @!p0 $0x1BF5;
	p2 =	por !p2, p0  }
0x20: {  	[sflag:s8] =	ssyncset.s32 @!p0 $0xFFFFF086;
	s6 =	sadd.s32 @!p0 s3, s7;
	s7 =	simm.s32 @!p0 $0x108  }
0x21: {  	s3 =	sadd.s32 s3, s9;
	s6 =	sadd.s32 @!p0 $0x88, s6;
	s7 =	simm.s32 @p2 $0x1082  }
0x22: {  	[simem:s7], [sflag:s8] =	dma.local @!p0 [hbm:s6], $0xF7A  }
0x23: {  	s9 =	sor.u32 $0xD0000000, s2;
	s6 =	simm.s32 $0x108;
	_ =	swait.ge @!p0 [sflag:s8], $0x0  }
0x24: {  	s3 =	sadd.s32 $0x88, s3;
	s6 =	simm.s32 @!p1 $0x1082;
	[sflag:s4] =	ssyncset.s32 $0xFFFFF086  }
0x25: {  	[simem:s6], [sflag:s4] =	dma.local [hbm:s3], $0xF7A  }
0x26: {  	[smem:$0x3F9B] =	sst s1;
	(tag) =	ssettag s2;
	_ =	strace s9  }
0x27: {  	s1 =	sld [smem:$0x3FAB]  }
0x28: {  	s2 =	sld [smem:$0x3FAC]  }
0x29: {  	s4 =	sld [smem:$0x3FAE]  }
0x2a: {  	p0 =	seq.s32 s5, $0x0;
	s5 =	sld [smem:$0x3FAF]  }
0x2b: {  	s6 =	sld [smem:$0x3FB0]  }
0x2c: {  	s7 =	sld [smem:$0x3FB1]  }
0x2d: {  	s3 =	simm.s32 $0x108;
	s8 =	sld [smem:$0x3FB2]  }
0x2e: {  	s3 =	simm.s32 @!p0 $0x1082;
	s9 =	sld [smem:$0x3FB3]  }
0x2f: {  	lr =	sadd.s32 s0, s3;
	s0 =	sld [smem:$0x3FAA]  }
0x30: {  	s3 =	sld [smem:$0x3FAD]  }
0x31: {  	[smem:$0x3FB6] =	sst s10  }
0x32: {  	s10 =	sld [smem:$0x3FB4];
	_ =	sdelay $0x3  }
0x33: {  	p0 =	seq.s32 s10, $0x1;
	s10 =	sld [smem:$0x3FB6];
	_ =	sdelay $0x3  }
0x34: {  	[smem:$0x3FB6] =	sst s10  }
0x35: {  	s10 =	sld [smem:$0x3FB5];
	_ =	sdelay $0x3  }
0x36: {  	p1 =	seq.s32 s10, $0x1;
	s10 =	sld [smem:$0x3FB6];
	_ =	sdelay $0x3  }
0x37: {  	[smem:$0x3FB6] =	sst s10  }
0x38: {  	s10 =	sld [smem:$0x3FB7]  }
0x39: {  	_ = 	snop;
	(pc) =	sbr.ind lr, $3  }
0x3a: {  	_ = 	snop  }
0x3b: {  	_ = 	snop  }
0x3c: {  	p2 =	seq.s32 s10, $0x1;
	s10 =	sld [smem:$0x3FB6]  }
0x3d: {  	_ =	shalt  }
0x3e: {  	_ =	shalt  }
0x3f: {  	_ =	shalt  }
0x40: {  	_ =	shalt  }
0x41: {  	_ =	shalt  }
0x42: {  	_ =	shalt  }
0x43: {  	_ =	shalt  }
0x44: {  	_ =	shalt  }
0x45: {  	_ =	shalt  }
0x46: {  	_ =	shalt  }
0x47: {  	_ =	shalt  }
0x48: {  	_ =	shalt  }
0x49: {  	_ =	shalt  }
0x4a: {  	_ =	shalt  }
0x4b: {  	_ =	shalt  }
0x4c: {  	_ =	shalt  }
0x4d: {  	_ =	shalt  }
0x4e: {  	_ =	shalt  }
0x4f: {  	_ =	shalt  }
0x50: {  	_ =	shalt  }
0x51: {  	_ =	shalt  }
0x52: {  	_ =	shalt  }
0x53: {  	_ =	shalt  }
0x54: {  	_ =	shalt  }
0x55: {  	_ =	shalt  }
0x56: {  	_ =	shalt  }
0x57: {  	_ =	shalt  }
0x58: {  	_ =	shalt  }
0x59: {  	_ =	shalt  }
0x5a: {  	_ =	shalt  }
0x5b: {  	_ =	shalt  }
0x5c: {  	_ =	shalt  }
0x5d: {  	_ =	shalt  }
0x5e: {  	_ =	shalt  }
0x5f: {  	_ =	shalt  }
0x60: {  	_ =	shalt  }
0x61: {  	_ =	shalt  }
0x62: {  	_ =	shalt  }
0x63: {  	_ =	shalt  }
0x64: {  	_ =	shalt  }
0x65: {  	_ =	shalt  }
0x66: {  	_ =	shalt  }
0x67: {  	_ =	shalt  }
0x68: {  	_ =	shalt  }
0x69: {  	_ =	shalt  }
0x6a: {  	_ =	shalt  }
0x6b: {  	_ =	shalt  }
0x6c: {  	_ =	shalt  }
0x6d: {  	_ =	shalt  }
0x6e: {  	_ =	shalt  }
0x6f: {  	_ =	shalt  }
0x70: {  	_ =	shalt  }
0x71: {  	_ =	shalt  }
0x72: {  	_ =	shalt  }
0x73: {  	_ =	shalt  }
0x74: {  	_ =	shalt  }
0x75: {  	_ =	shalt  }
0x76: {  	_ =	shalt  }
0x77: {  	_ =	shalt  }
0x78: {  	_ =	shalt  }
0x79: {  	_ =	shalt  }
0x7a: {  	_ =	shalt  }
0x7b: {  	_ =	shalt  }
0x7c: {  	_ =	shalt  }
0x7d: {  	_ =	shalt  }
0x7e: {  	_ =	shalt  }
0x7f: {  	_ =	shalt  }
0x80: {  	_ =	shalt  }
0x81: {  	_ =	shalt  }
0x82: {  	_ =	shalt  }
0x83: {  	_ =	shalt  }
0x84: {  	_ =	shalt  }
0x85: {  	_ =	shalt  }
0x86: {  	_ =	shalt  }
0x87: {  	_ =	shalt  }
.Lfunc_end0:
.L_simem_size_0:
called_computation_lowered:
.L_overlay_start_0:
0x88: {  	s2 =	sld [smem:$0x3FD9]  }
0x89: {  	s3 =	sld [smem:$0x3FFE];
	_ =	sdelay $0x1  }
0x8a: {  	s1 =	srdreg.scid  }
0x8b: {  	s0 =	sand.u32 $0x1, s1  }
0x8c: {  	s17 =	sshll.u32 s0, $0xA;
	s2 =	sadd.s32 s3, s2  }
0x8d: {  	s2 =	sadd.s32 s2, s17  }
0x8e: {  	[smem:$0x3FC2] =	sst s2  }
0x8f: {  	_ = 	snop  }
0x90: {  	s2 =	sld [smem:$0x3FC9]  }
0x91: {  	s18 =	sld [smem:$0x3FC8]  }
0x92: {  	s4 =	sld [smem:$0x3FD0];
	(tm) =	ssettm $0x1  }
0x93: {  	s5 =	sld [smem:$0x3FFB];
	_ =	sdelay $0x3  }
0x94: {  	_ =	strace s5  }
0x95: {  	s5 =	sld [smem:$0x3FFC];
	_ =	sdelay $0x3  }
0x96: {  	_ =	strace s5  }
0x97: {  	s5 =	sld [smem:$0x3FFD];
	_ =	sdelay $0x3  }
0x98: {  	_ =	strace s5  }
0x99: {  	_ =	strace $0x8FFFFFFF  }
0x9a: {  	s19 =	sld [smem:$0x3FDB];
	_ =	sdelay $0x1  }
0x9b: {  	s6 =	simm.s32 $_scs_section_size  }
0x9c: {  	s7 =	simm.s32 $_size__tile_overlayer_lowered;
	s8 =	simm.s32 $_tile_overlayer_lowered  }
0x9d: {  	s22 =	simm.s32 $0x1BFF;
	s21 =	sshll.u32 s8, $0x1;
	s5 =	sadd.s32 s6, s19  }
0x9e: {  	s9 =	simm.s32 $0x0;
	s20 =	sshll.u32 s7, $0x1;
	s7 =	sadd.s32 s21, s5  }
0x9f: {  	[timem:s9], [sflag:s22] =	dma.local [hbm:s7], s20  }
0xa0: {  	_ =	swait.ge [sflag:s22], s20  }
0xa1: {  	s6 =	ssub.s32 $0x0, s20;
	[sflag:s22] =	ssyncset.done $0x0  }
0xa2: {  	[sflag:s22] =	ssyncadd.s32 s6;
	_ =	sdelay $0x1  }
0xa3: {  	s23 =	simm.s32 $0x1B8B  }
0xa4: {  	_ =	swait.ge [sflag:s23], $0x1  }
0xa5: {  	[sflag:s23] =	ssyncset.done $0x0  }
0xa6: {  	s25 =	simm.s32 $0x1B8E;
	s24 =	sld [smem:$0x3FFE];
	[sflag:s23] =	ssyncadd.s32 $0xFFFFFFFF  }
0xa7: {  	s26 =	simm.s32 $execute0_lowered;
	[smem:$0x3FD2] =	sst s25  }
0xa8: {  	s7 =	sshll.u32 s26, $0x1;
	_ =	strace $0x80000046;
	[dreg:$0x1] =	wrdreg $0xFFFFFFFF  }
0xa9: {  	s28 =	simm.s32 $_size_execute0_lowered;
	s5 =	sadd.s32 s5, s7;
	[dreg:$0x0] =	wrdreg $0x0  }
0xaa: {  	s7 =	sshll.u32 s28, $0x1;
	[dreg:$0x2] =	wrdreg s5  }
0xab: {  	[dreg:$0x3] =	wrdreg s7  }
0xac: {  	[dreg:$0x4] =	wrdreg $0xC0  }
0xad: {  	_ =	task [dreg:s9], $0x5FFFF  }
0xae: {  	[dreg:$0x1] =	wrdreg $0xFFFFFFFF  }
0xaf: {  	[dreg:$0x0] =	wrdreg $0x60  }
0xb0: {  	[dreg:$0x2] =	wrdreg s2  }
0xb1: {  	[dreg:$0x3] =	wrdreg s18  }
0xb2: {  	[dreg:$0x4] =	wrdreg s24  }
0xb3: {  	[dreg:$0x5] =	wrdreg s4  }
0xb4: {  	[dreg:$0x6] =	wrdreg $0x9  }
0xb5: {  	_ =	task.clear_ibuf [dreg:s9], $0x7FFFF;
	_ =	strace $0x90000046  }
0xb6: {  	s29 =	simm.s32 $0x9;
	_ =	strace $0x80000048  }
0xb7: {  	_ =	swait.ge [sflag:s29], $0x1  }
0xb8: {  	[sflag:s29] =	ssyncadd.s32 $0xFFFFFFFF  }
0xb9: {  	_ =	strace $0x90000048  }
0xba: {  	_ =	sfence  }
0xbb: {  	s30 =	sld [smem:$0x0];
	_ =	sdelay $0x2  }
0xbc: {  	s31 =	sshll.u32 s1, $0xD;
	s1 =	sshrl.u32 s1, $0x2  }
0xbd: {  	s3 =	sand.u32 $0x4000, s31;
	s1 =	sadd.s32 s1, s30  }
0xbe: {  	s0 =	sor.u32 s3, s0;
	s1 =	sshll.u32 s1, $0x11  }
0xbf: {  	s0 =	sor.u32 s1, s0  }
0xc0: {  	s0 =	sadd.s32 $0x8F2B, s0  }
0xc1: {  	[sflag:s0] =	ssyncadd.remote.s32 $0x1  }
0xc2: {  	_ =	sfence.sel $0xFFFF  }
0xc3: {  	[dreg:$0x0] =	wrdreg $0xFFFFFFFF;
	(pc) =	sbr.abs _section_cstart, $3  }
0xc4: {  	[dreg:$0x1] =	wrdreg $0xFFFFFFFF  }
0xc5: {  	_ =	task.clear_ibuf [dreg:s9], $0x2FFFF;
	_ =	strace $0x9FFFFFFF  }
0xc6: {  	(tm) =	ssettm $0x7FFFFFFF  }
0xc7: {  	_ =	shalt  }
tec
execute0_lowered:
.L_overlay_start_1:
0x0: {  	(tag) =	ssettag $0x1  }
0x1: {  	s0 =	rddreg [dreg:$0x0]  }
0x2: {  	s3 =	rddreg [dreg:$0x1]  }
0x3: {  	s1 =	rddreg [dreg:$0x2]  }
0x4: {  	s9 =	rddreg [dreg:$0x3];
	s2 =	simm.s32 $0x0;
	s6 =	srdreg.scid  }
0x5: {  	s8 =	stileid.u32;
	s12 =	simm.s32 $0x200;
	s13 =	simm.s32 $0x80  }
0x6: {  	s19 =	simm.s32 $0x280;
	s23 =	simm.s32 $0x100;
	s25 =	simm.s32 $0x300  }
0x7: {  	s30 =	simm.s32 $0x180;
	s31 =	simm.s32 $0x6400;
	s14 =	simm.s32 $0x10580  }
0x8: {  	v0 =	vlaneseq.u32;
	s15 =	simm.s32 $0x10780;
	s16 =	simm.s32 $0x1;
	s17 =	simm.s32 $0x10A00  }
0x9: {  	s18 =	simm.s32 $0x10800;
	s20 =	simm.s32 $0x0;
	[smem:$0x7FF] =	sst s2;
	v0 =	vmul.u32 $0x10, v0  }
0xa: {  	s4 =	sadd.s32 $0x16E3600, s1;
	s5 =	sadd.s32 $0xF42400, s1;
	s6 =	sand.u32 $0x1, s6  }
0xb: {  	s8 =	sshll.u32 s8, $0x7;
	s7 =	ssub.s32 $0x2, s6;
	s10 =	sshll.u32 s6, $0x6;
	v1 =	vor.u32 $0x1, v0;
	v2 =	vor.u32 $0x2, v0;
	v3 =	vor.u32 $0x3, v0  }
0xc: {  	_ =	strace $0x80000047;
	s11 =	sshrl.u32 s7, $0x1;
	s10 =	sor.u32 s10, s8;
	v4 =	vor.u32 $0x4, v0;
	v5 =	vor.u32 $0x5, v0;
	v6 =	vor.u32 $0x6, v0  }
0xd: {  	s6 =	sadd.s32 $0x1EA00, s1;
	v7 =	vor.u32 $0x7, v0;
	v8 =	vor.u32 $0x8, v0;
	v9 =	vor.u32 $0x9, v0;
	s11 =	ssub.s32 s7, s11;
	s7 =	sadd.s32 s0, s10  }
0xe: {  	v10 =	vor.u32 $0xA, v0;
	v11 =	vor.u32 $0xB, v0;
	v12 =	vor.u32 $0xC, v0;
	s8 =	sadd.s32 s3, s10;
	s9 =	sadd.s32 s9, s10;
	s0 =	simm.s32 $0x380  }
0xf: {  	v13 =	vor.u32 $0xD, v0;
	v14 =	vor.u32 $0xE, v0;
	v15 =	vor.u32 $0xF, v0;
	s3 =	simm.s32 $0xE400;
	s10 =	smax.u32 s11, $0x1;
	s11 =	simm.s32 $0x2  }
.LBB2_1:
0x10: {  	[tilespmem:s2], [sflag:$0x2] =	stream.linear.gather [hbm4b:s7+s2], $0x200, $0x38;
	[tilespmem:$0x10B00] =	vst v63  }
0x11: {  	_ =	swait.ge [sflag:s11], $0x200  }
0x12: {  	[sflag:s11] =	ssyncset.done $0x0  }
0x13: {  	[sflag:s11] =	ssyncadd.s32 $0xFFFFFE00  }
0x14: {  	[tilespmem:s12], [sflag:$0x2] =	stream.linear.gather [hbm4b:s8+s2], $0x200, $0x38;
	[tilespmem:$0x10B00] =	vst v63  }
0x15: {  	_ =	swait.ge [sflag:s11], $0x200  }
0x16: {  	[sflag:s11] =	ssyncset.done $0x0  }
0x17: {  	s21 =	simm.s32 $0x400;
	[sflag:s11] =	ssyncadd.s32 $0xFFFFFE00  }
0x18: {  	[tilespmem:s21], [sflag:$0x1] =	stream.indirect.gather [hbm4b:s4+s13], $0x40, s2, s13, $0xb8;
	[tilespmem:$0x10B00] =	vst v63  }
0x19: {  	s29 =	simm.s32 $0x8400  }
0x1a: {  	[tilespmem:s29], [sflag:$0x1] =	stream.indirect.gather [hbm4b:s5+s13], $0x40, s12, s13, $0xb8;
	[tilespmem:$0x10B00] =	vst v63  }
0x1b: {  	s22 =	simm.s32 $0x10400  }
0x1c: {  	[tilespmem:s22], [sflag:$0x1] =	stream.indirect.gather [hbm4b:s6+s13], $0x1, s2, s13, $0xb8;
	[tilespmem:$0x10B00] =	vst v63  }
0x1d: {  	s24 =	simm.s32 $0x10600  }
0x1e: {  	[tilespmem:s24], [sflag:$0x1] =	stream.indirect.gather [hbm4b:s1+s13], $0x1, s12, s13, $0xb8;
	[tilespmem:$0x10B00] =	vst v63  }
0x1f: {  	s26 =	simm.s32 $0x2400  }
0x20: {  	[tilespmem:s26], [sflag:$0x1] =	stream.indirect.gather [hbm4b:s4+s13], $0x40, s13, s13, $0xb8;
	[tilespmem:$0x10B00] =	vst v63  }
0x21: {  	s28 =	simm.s32 $0xA400  }
0x22: {  	[tilespmem:s28], [sflag:$0x1] =	stream.indirect.gather [hbm4b:s5+s13], $0x40, s19, s13, $0xb8;
	[tilespmem:$0x10B00] =	vst v63  }
0x23: {  	s29 =	simm.s32 $0x10480  }
0x24: {  	[tilespmem:s29], [sflag:$0x1] =	stream.indirect.gather [hbm4b:s6+s13], $0x1, s13, s13, $0xb8;
	[tilespmem:$0x10B00] =	vst v63  }
0x25: {  	s22 =	simm.s32 $0x10680  }
0x26: {  	[tilespmem:s22], [sflag:$0x1] =	stream.indirect.gather [hbm4b:s1+s13], $0x1, s19, s13, $0xb8;
	[tilespmem:$0x10B00] =	vst v63  }
0x27: {  	s24 =	simm.s32 $0x4400  }
0x28: {  	[tilespmem:s24], [sflag:$0x1] =	stream.indirect.gather [hbm4b:s4+s13], $0x40, s23, s13, $0xb8;
	[tilespmem:$0x10B00] =	vst v63  }
0x29: {  	s26 =	simm.s32 $0xC400  }
0x2a: {  	[tilespmem:s26], [sflag:$0x1] =	stream.indirect.gather [hbm4b:s5+s13], $0x40, s25, s13, $0xb8;
	[tilespmem:$0x10B00] =	vst v63  }
0x2b: {  	s28 =	simm.s32 $0x10500  }
0x2c: {  	[tilespmem:s28], [sflag:$0x1] =	stream.indirect.gather [hbm4b:s6+s13], $0x1, s23, s13, $0xb8;
	[tilespmem:$0x10B00] =	vst v63  }
0x2d: {  	s29 =	simm.s32 $0x10700  }
0x2e: {  	[tilespmem:s29], [sflag:$0x1] =	stream.indirect.gather [hbm4b:s1+s13], $0x1, s25, s13, $0xb8;
	[tilespmem:$0x10B00] =	vst v63  }
0x2f: {  	_ = 	snop  }
0x30: {  	[tilespmem:s31], [sflag:$0x1] =	stream.indirect.gather [hbm4b:s4+s13], $0x40, s30, s13, $0xb8;
	[tilespmem:$0x10B00] =	vst v63  }
0x31: {  	_ = 	snop  }
0x32: {  	[tilespmem:s3], [sflag:$0x1] =	stream.indirect.gather [hbm4b:s5+s13], $0x40, s0, s13, $0xb8;
	[tilespmem:$0x10B00] =	vst v63  }
0x33: {  	_ = 	snop  }
0x34: {  	[tilespmem:s14], [sflag:$0x1] =	stream.indirect.gather [hbm4b:s6+s13], $0x1, s30, s13, $0xb8;
	[tilespmem:$0x10B00] =	vst v63  }
0x35: {  	_ = 	snop  }
0x36: {  	[tilespmem:s15], [sflag:$0x1] =	stream.indirect.gather [hbm4b:s1+s13], $0x1, s0, s13, $0xb8;
	[tilespmem:$0x10B00] =	vst v63  }
0x37: {  	_ =	swait.ge [sflag:s16], $0x2000  }
0x38: {  	[sflag:s16] =	ssyncset.done $0x0  }
0x39: {  	[sflag:s16] =	ssyncadd.s32 $0xFFFFE000  }
0x3a: {  	_ =	swait.ge [sflag:s16], $0x2000  }
0x3b: {  	[sflag:s16] =	ssyncset.done $0x0  }
0x3c: {  	[sflag:s16] =	ssyncadd.s32 $0xFFFFE000  }
0x3d: {  	_ =	swait.ge [sflag:s16], $0x80  }
0x3e: {  	[sflag:s16] =	ssyncset.done $0x0  }
0x3f: {  	[sflag:s16] =	ssyncadd.s32 $0xFFFFFF80  }
0x40: {  	_ =	swait.ge [sflag:s16], $0x80  }
0x41: {  	[sflag:s16] =	ssyncset.done $0x0  }
0x42: {  	[sflag:s16] =	ssyncadd.s32 $0xFFFFFF80  }
0x43: {  	_ =	swait.ge [sflag:s16], $0x2000  }
0x44: {  	[sflag:s16] =	ssyncset.done $0x0  }
0x45: {  	[sflag:s16] =	ssyncadd.s32 $0xFFFFE000  }
0x46: {  	_ =	swait.ge [sflag:s16], $0x2000  }
0x47: {  	[sflag:s16] =	ssyncset.done $0x0  }
0x48: {  	[sflag:s16] =	ssyncadd.s32 $0xFFFFE000  }
0x49: {  	_ =	swait.ge [sflag:s16], $0x80  }
0x4a: {  	[sflag:s16] =	ssyncset.done $0x0  }
0x4b: {  	[sflag:s16] =	ssyncadd.s32 $0xFFFFFF80  }
0x4c: {  	_ =	swait.ge [sflag:s16], $0x80  }
0x4d: {  	[sflag:s16] =	ssyncset.done $0x0  }
0x4e: {  	[sflag:s16] =	ssyncadd.s32 $0xFFFFFF80  }
0x4f: {  	_ =	swait.ge [sflag:s16], $0x2000  }
0x50: {  	[sflag:s16] =	ssyncset.done $0x0  }
0x51: {  	[sflag:s16] =	ssyncadd.s32 $0xFFFFE000  }
0x52: {  	_ =	swait.ge [sflag:s16], $0x2000  }
0x53: {  	[sflag:s16] =	ssyncset.done $0x0  }
0x54: {  	[sflag:s16] =	ssyncadd.s32 $0xFFFFE000  }
0x55: {  	_ =	swait.ge [sflag:s16], $0x80  }
0x56: {  	[sflag:s16] =	ssyncset.done $0x0  }
0x57: {  	[sflag:s16] =	ssyncadd.s32 $0xFFFFFF80  }
0x58: {  	_ =	swait.ge [sflag:s16], $0x80  }
0x59: {  	[sflag:s16] =	ssyncset.done $0x0  }
0x5a: {  	[sflag:s16] =	ssyncadd.s32 $0xFFFFFF80  }
0x5b: {  	_ =	swait.ge [sflag:s16], $0x2000  }
0x5c: {  	[sflag:s16] =	ssyncset.done $0x0  }
0x5d: {  	[sflag:s16] =	ssyncadd.s32 $0xFFFFE000  }
0x5e: {  	_ =	swait.ge [sflag:s16], $0x2000  }
0x5f: {  	[sflag:s16] =	ssyncset.done $0x0  }
0x60: {  	[sflag:s16] =	ssyncadd.s32 $0xFFFFE000  }
0x61: {  	_ =	swait.ge [sflag:s16], $0x80  }
0x62: {  	[sflag:s16] =	ssyncset.done $0x0  }
0x63: {  	[sflag:s16] =	ssyncadd.s32 $0xFFFFFF80  }
0x64: {  	_ =	swait.ge [sflag:s16], $0x80  }
0x65: {  	[sflag:s16] =	ssyncset.done $0x0  }
0x66: {  	s21 =	simm.s32 $0x600;
	[sflag:s16] =	ssyncadd.s32 $0xFFFFFF80  }
0x67: {  	s22 =	simm.s32 $0x8600;
	v16 =	vld [tilespmem:s21+$0xFFFFFE00]  }
0x68: {  	v17 =	vld [tilespmem:s22+$0xFFFFFE10]  }
0x69: {  	v18 =	vld [tilespmem:s21+$0xFFFFFE10]  }
0x6a: {  	v19 =	vld [tilespmem:s22+$0xFFFFFE00]  }
0x6b: {  	v20 =	vld [tilespmem:s22+$0xFFFFFE20]  }
0x6c: {  	v21 =	vld [tilespmem:s21+$0xFFFFFE20]  }
0x6d: {  	v22 =	vld [tilespmem:s22+$0xFFFFFE30]  }
0x6e: {  	v23 =	vld [tilespmem:s21+$0xFFFFFE30]  }
0x6f: {  	v17 =	vmul.f32 v17, v18;
	v16 =	vmul.f32 v19, v16;
	_ =	sdelay $0x1  }
0x70: {  	v16 =	vadd.f32 v17, v16;
	v17 =	vmul.f32 v20, v21;
	_ =	sdelay $0x1  }
0x71: {  	v16 =	vadd.f32 v17, v16;
	v17 =	vmul.f32 v22, v23;
	_ =	sdelay $0x1  }
0x72: {  	v16 =	vadd.f32 v17, v16;
	_ =	sdelay $0x1  }
0x73: {  	[tilespmem:v0+s17+$0x0] =	vst.idx.msk $0xffff, v16  }
0x74: {  	v16 =	vld [tilespmem:s22+$0xFFFFFE50]  }
0x75: {  	v17 =	vld [tilespmem:s21+$0xFFFFFE40]  }
0x76: {  	v18 =	vld [tilespmem:s21+$0xFFFFFE50]  }
0x77: {  	v19 =	vld [tilespmem:s22+$0xFFFFFE40]  }
0x78: {  	v20 =	vld [tilespmem:s22+$0xFFFFFE60]  }
0x79: {  	v60 =	vld [tilespmem:s21+$0xFFFFFE60]  }
0x7a: {  	v61 =	vld [tilespmem:s22+$0xFFFFFE70]  }
0x7b: {  	v62 =	vld [tilespmem:s21+$0xFFFFFE70]  }
0x7c: {  	v16 =	vmul.f32 v16, v18;
	v17 =	vmul.f32 v19, v17;
	_ =	sdelay $0x1  }
0x7d: {  	v16 =	vadd.f32 v16, v17;
	v17 =	vmul.f32 v20, v60;
	_ =	sdelay $0x1  }
0x7e: {  	v16 =	vadd.f32 v17, v16;
	v17 =	vmul.f32 v61, v62;
	_ =	sdelay $0x1  }
0x7f: {  	v16 =	vadd.f32 v17, v16;
	_ =	sdelay $0x1  }
0x80: {  	[tilespmem:v1+s17+$0x0] =	vst.idx.msk $0xffff, v16  }
0x81: {  	v16 =	vld [tilespmem:s21+$0xFFFFFE80]  }
0x82: {  	v17 =	vld [tilespmem:s22+$0xFFFFFE80]  }
0x83: {  	v18 =	vld [tilespmem:s22+$0xFFFFFE90]  }
0x84: {  	v19 =	vld [tilespmem:s21+$0xFFFFFE90]  }
0x85: {  	v20 =	vld [tilespmem:s22+$0xFFFFFEA0]  }
0x86: {  	v63 =	vld [tilespmem:s21+$0xFFFFFEA0]  }
0x87: {  	v24 =	vld [tilespmem:s22+$0xFFFFFEB0]  }
0x88: {  	v25 =	vld [tilespmem:s21+$0xFFFFFEB0]  }
0x89: {  	v16 =	vmul.f32 v17, v16;
	v17 =	vmul.f32 v18, v19;
	_ =	sdelay $0x1  }
0x8a: {  	v16 =	vadd.f32 v17, v16;
	v17 =	vmul.f32 v20, v63;
	_ =	sdelay $0x1  }
0x8b: {  	v16 =	vadd.f32 v17, v16;
	v17 =	vmul.f32 v24, v25;
	_ =	sdelay $0x1  }
0x8c: {  	v16 =	vadd.f32 v17, v16;
	_ =	sdelay $0x1  }
0x8d: {  	[tilespmem:v2+s17+$0x0] =	vst.idx.msk $0xffff, v16  }
0x8e: {  	v16 =	vld [tilespmem:s22+$0xFFFFFEC0]  }
0x8f: {  	v17 =	vld [tilespmem:s21+$0xFFFFFEC0]  }
0x90: {  	v18 =	vld [tilespmem:s21+$0xFFFFFED0]  }
0x91: {  	v19 =	vld [tilespmem:s22+$0xFFFFFED0]  }
0x92: {  	v20 =	vld [tilespmem:s22+$0xFFFFFEE0]  }
0x93: {  	v26 =	vld [tilespmem:s21+$0xFFFFFEE0]  }
0x94: {  	v27 =	vld [tilespmem:s22+$0xFFFFFEF0]  }
0x95: {  	v28 =	vld [tilespmem:s21+$0xFFFFFEF0]  }
0x96: {  	v16 =	vmul.f32 v16, v17;
	v17 =	vmul.f32 v19, v18;
	_ =	sdelay $0x1  }
0x97: {  	v16 =	vadd.f32 v17, v16;
	v17 =	vmul.f32 v20, v26;
	_ =	sdelay $0x1  }
0x98: {  	v16 =	vadd.f32 v17, v16;
	v17 =	vmul.f32 v27, v28;
	_ =	sdelay $0x1  }
0x99: {  	v16 =	vadd.f32 v17, v16;
	_ =	sdelay $0x1  }
0x9a: {  	[tilespmem:v3+s17+$0x0] =	vst.idx.msk $0xffff, v16  }
0x9b: {  	v16 =	vld [tilespmem:s22+$0xFFFFFF10]  }
0x9c: {  	v17 =	vld [tilespmem:s21+$0xFFFFFF00]  }
0x9d: {  	v18 =	vld [tilespmem:s22+$0xFFFFFF00]  }
0x9e: {  	v19 =	vld [tilespmem:s21+$0xFFFFFF10]  }
0x9f: {  	v20 =	vld [tilespmem:s22+$0xFFFFFF20]  }
0xa0: {  	v29 =	vld [tilespmem:s21+$0xFFFFFF20]  }
0xa1: {  	v30 =	vld [tilespmem:s22+$0xFFFFFF30]  }
0xa2: {  	v31 =	vld [tilespmem:s21+$0xFFFFFF30]  }
0xa3: {  	v17 =	vmul.f32 v18, v17;
	v16 =	vmul.f32 v16, v19;
	_ =	sdelay $0x1  }
0xa4: {  	v16 =	vadd.f32 v16, v17;
	v17 =	vmul.f32 v20, v29;
	_ =	sdelay $0x1  }
0xa5: {  	v16 =	vadd.f32 v17, v16;
	v17 =	vmul.f32 v30, v31;
	_ =	sdelay $0x1  }
0xa6: {  	v16 =	vadd.f32 v17, v16;
	_ =	sdelay $0x1  }
0xa7: {  	[tilespmem:v4+s17+$0x0] =	vst.idx.msk $0xffff, v16  }
0xa8: {  	v16 =	vld [tilespmem:s22+$0xFFFFFF50]  }
0xa9: {  	v17 =	vld [tilespmem:s21+$0xFFFFFF40]  }
0xaa: {  	v18 =	vld [tilespmem:s22+$0xFFFFFF40]  }
0xab: {  	v19 =	vld [tilespmem:s21+$0xFFFFFF50]  }
0xac: {  	v20 =	vld [tilespmem:s22+$0xFFFFFF60]  }
0xad: {  	v32 =	vld [tilespmem:s21+$0xFFFFFF60]  }
0xae: {  	v33 =	vld [tilespmem:s22+$0xFFFFFF70]  }
0xaf: {  	v34 =	vld [tilespmem:s21+$0xFFFFFF70]  }
0xb0: {  	v17 =	vmul.f32 v18, v17;
	v16 =	vmul.f32 v16, v19;
	_ =	sdelay $0x1  }
0xb1: {  	v16 =	vadd.f32 v16, v17;
	v17 =	vmul.f32 v20, v32;
	_ =	sdelay $0x1  }
0xb2: {  	v16 =	vadd.f32 v17, v16;
	v17 =	vmul.f32 v33, v34;
	_ =	sdelay $0x1  }
0xb3: {  	v16 =	vadd.f32 v17, v16;
	_ =	sdelay $0x1  }
0xb4: {  	[tilespmem:v5+s17+$0x0] =	vst.idx.msk $0xffff, v16  }
0xb5: {  	v16 =	vld [tilespmem:s22+$0xFFFFFF80]  }
0xb6: {  	v17 =	vld [tilespmem:s22+$0xFFFFFF90]  }
0xb7: {  	v18 =	vld [tilespmem:s21+$0xFFFFFF90]  }
0xb8: {  	v19 =	vld [tilespmem:s21+$0xFFFFFF80]  }
0xb9: {  	v20 =	vld [tilespmem:s22+$0xFFFFFFA0]  }
0xba: {  	v35 =	vld [tilespmem:s21+$0xFFFFFFA0]  }
0xbb: {  	v36 =	vld [tilespmem:s22+$0xFFFFFFB0]  }
0xbc: {  	v37 =	vld [tilespmem:s21+$0xFFFFFFB0]  }
0xbd: {  	v17 =	vmul.f32 v17, v18;
	v16 =	vmul.f32 v16, v19;
	_ =	sdelay $0x1  }
0xbe: {  	v16 =	vadd.f32 v17, v16;
	v17 =	vmul.f32 v20, v35;
	_ =	sdelay $0x1  }
0xbf: {  	v16 =	vadd.f32 v17, v16;
	v17 =	vmul.f32 v36, v37;
	_ =	sdelay $0x1  }
0xc0: {  	v16 =	vadd.f32 v17, v16;
	_ =	sdelay $0x1  }
0xc1: {  	[tilespmem:v6+s17+$0x0] =	vst.idx.msk $0xffff, v16  }
0xc2: {  	v16 =	vld [tilespmem:s22+$0xFFFFFFD0]  }
0xc3: {  	v17 =	vld [tilespmem:s22+$0xFFFFFFC0]  }
0xc4: {  	v18 =	vld [tilespmem:s21+$0xFFFFFFC0]  }
0xc5: {  	v19 =	vld [tilespmem:s21+$0xFFFFFFD0]  }
0xc6: {  	v20 =	vld [tilespmem:s22+$0xFFFFFFE0]  }
0xc7: {  	v38 =	vld [tilespmem:s21+$0xFFFFFFE0]  }
0xc8: {  	v39 =	vld [tilespmem:s22+$0xFFFFFFF0]  }
0xc9: {  	v40 =	vld [tilespmem:s21+$0xFFFFFFF0]  }
0xca: {  	v17 =	vmul.f32 v17, v18;
	v16 =	vmul.f32 v16, v19;
	_ =	sdelay $0x1  }
0xcb: {  	v16 =	vadd.f32 v16, v17;
	v17 =	vmul.f32 v20, v38;
	_ =	sdelay $0x1  }
0xcc: {  	v16 =	vadd.f32 v17, v16;
	v17 =	vmul.f32 v39, v40;
	_ =	sdelay $0x1  }
0xcd: {  	v16 =	vadd.f32 v17, v16;
	_ =	sdelay $0x1  }
0xce: {  	[tilespmem:v7+s17+$0x0] =	vst.idx.msk $0xffff, v16  }
0xcf: {  	v16 =	vld [tilespmem:s22+$0x0]  }
0xd0: {  	v17 =	vld [tilespmem:s22+$0x10]  }
0xd1: {  	v18 =	vld [tilespmem:s21+$0x0]  }
0xd2: {  	v19 =	vld [tilespmem:s21+$0x10]  }
0xd3: {  	v20 =	vld [tilespmem:s22+$0x20]  }
0xd4: {  	v41 =	vld [tilespmem:s21+$0x20]  }
0xd5: {  	v42 =	vld [tilespmem:s22+$0x30]  }
0xd6: {  	v43 =	vld [tilespmem:s21+$0x30]  }
0xd7: {  	v16 =	vmul.f32 v16, v18;
	v17 =	vmul.f32 v17, v19;
	_ =	sdelay $0x1  }
0xd8: {  	v16 =	vadd.f32 v17, v16;
	v17 =	vmul.f32 v20, v41;
	_ =	sdelay $0x1  }
0xd9: {  	v16 =	vadd.f32 v17, v16;
	v17 =	vmul.f32 v42, v43;
	_ =	sdelay $0x1  }
0xda: {  	v16 =	vadd.f32 v17, v16;
	_ =	sdelay $0x1  }
0xdb: {  	[tilespmem:v8+s17+$0x0] =	vst.idx.msk $0xffff, v16  }
0xdc: {  	v16 =	vld [tilespmem:s22+$0x40]  }
0xdd: {  	v17 =	vld [tilespmem:s22+$0x50]  }
0xde: {  	v18 =	vld [tilespmem:s21+$0x40]  }
0xdf: {  	v19 =	vld [tilespmem:s21+$0x50]  }
0xe0: {  	v20 =	vld [tilespmem:s21+$0x60]  }
0xe1: {  	v44 =	vld [tilespmem:s22+$0x60]  }
0xe2: {  	v45 =	vld [tilespmem:s21+$0x70]  }
0xe3: {  	v46 =	vld [tilespmem:s22+$0x70]  }
0xe4: {  	v16 =	vmul.f32 v16, v18;
	v17 =	vmul.f32 v17, v19;
	_ =	sdelay $0x1  }
0xe5: {  	v16 =	vadd.f32 v17, v16;
	v17 =	vmul.f32 v44, v20;
	_ =	sdelay $0x1  }
0xe6: {  	v16 =	vadd.f32 v17, v16;
	v17 =	vmul.f32 v46, v45;
	_ =	sdelay $0x1  }
0xe7: {  	v16 =	vadd.f32 v17, v16;
	_ =	sdelay $0x1  }
0xe8: {  	[tilespmem:v9+s17+$0x0] =	vst.idx.msk $0xffff, v16  }
0xe9: {  	v16 =	vld [tilespmem:s22+$0x80]  }
0xea: {  	v17 =	vld [tilespmem:s22+$0x90]  }
0xeb: {  	v18 =	vld [tilespmem:s21+$0x80]  }
0xec: {  	v19 =	vld [tilespmem:s21+$0x90]  }
0xed: {  	v20 =	vld [tilespmem:s21+$0xA0]  }
0xee: {  	v47 =	vld [tilespmem:s22+$0xA0]  }
0xef: {  	v48 =	vld [tilespmem:s21+$0xB0]  }
0xf0: {  	v49 =	vld [tilespmem:s22+$0xB0]  }
0xf1: {  	v16 =	vmul.f32 v16, v18;
	v17 =	vmul.f32 v17, v19;
	_ =	sdelay $0x1  }
0xf2: {  	v16 =	vadd.f32 v17, v16;
	v17 =	vmul.f32 v47, v20;
	_ =	sdelay $0x1  }
0xf3: {  	v16 =	vadd.f32 v17, v16;
	v17 =	vmul.f32 v49, v48;
	_ =	sdelay $0x1  }
0xf4: {  	v16 =	vadd.f32 v17, v16;
	_ =	sdelay $0x1  }
0xf5: {  	[tilespmem:v10+s17+$0x0] =	vst.idx.msk $0xffff, v16  }
0xf6: {  	v16 =	vld [tilespmem:s22+$0xC0]  }
0xf7: {  	v17 =	vld [tilespmem:s22+$0xD0]  }
0xf8: {  	v18 =	vld [tilespmem:s21+$0xC0]  }
0xf9: {  	v19 =	vld [tilespmem:s21+$0xD0]  }
0xfa: {  	v20 =	vld [tilespmem:s21+$0xE0]  }
0xfb: {  	v50 =	vld [tilespmem:s22+$0xE0]  }
0xfc: {  	v51 =	vld [tilespmem:s21+$0xF0]  }
0xfd: {  	v52 =	vld [tilespmem:s22+$0xF0]  }
0xfe: {  	v16 =	vmul.f32 v16, v18;
	v17 =	vmul.f32 v17, v19;
	_ =	sdelay $0x1  }
0xff: {  	v16 =	vadd.f32 v17, v16;
	v17 =	vmul.f32 v50, v20;
	_ =	sdelay $0x1  }
0x100: {  	v16 =	vadd.f32 v17, v16;
	v17 =	vmul.f32 v52, v51;
	_ =	sdelay $0x1  }
0x101: {  	v16 =	vadd.f32 v17, v16;
	_ =	sdelay $0x1  }
0x102: {  	[tilespmem:v11+s17+$0x0] =	vst.idx.msk $0xffff, v16  }
0x103: {  	v16 =	vld [tilespmem:s22+$0x100]  }
0x104: {  	v17 =	vld [tilespmem:s22+$0x110]  }
0x105: {  	v18 =	vld [tilespmem:s21+$0x100]  }
0x106: {  	v19 =	vld [tilespmem:s21+$0x110]  }
0x107: {  	v20 =	vld [tilespmem:s21+$0x120]  }
0x108: {  	v53 =	vld [tilespmem:s22+$0x120]  }
0x109: {  	v54 =	vld [tilespmem:s21+$0x130]  }
0x10a: {  	v55 =	vld [tilespmem:s22+$0x130]  }
0x10b: {  	v16 =	vmul.f32 v16, v18;
	v17 =	vmul.f32 v17, v19;
	_ =	sdelay $0x1  }
0x10c: {  	v16 =	vadd.f32 v17, v16;
	v17 =	vmul.f32 v53, v20;
	_ =	sdelay $0x1  }
0x10d: {  	v16 =	vadd.f32 v17, v16;
	v17 =	vmul.f32 v55, v54;
	_ =	sdelay $0x1  }
0x10e: {  	v16 =	vadd.f32 v17, v16;
	_ =	sdelay $0x1  }
0x10f: {  	[tilespmem:v12+s17+$0x0] =	vst.idx.msk $0xffff, v16  }
0x110: {  	v16 =	vld [tilespmem:s22+$0x140]  }
0x111: {  	v17 =	vld [tilespmem:s22+$0x150]  }
0x112: {  	v18 =	vld [tilespmem:s21+$0x140]  }
0x113: {  	v19 =	vld [tilespmem:s21+$0x150]  }
0x114: {  	v20 =	vld [tilespmem:s21+$0x160]  }
0x115: {  	v56 =	vld [tilespmem:s22+$0x160]  }
0x116: {  	v57 =	vld [tilespmem:s21+$0x170]  }
0x117: {  	v58 =	vld [tilespmem:s22+$0x170]  }
0x118: {  	v16 =	vmul.f32 v16, v18;
	v17 =	vmul.f32 v17, v19;
	_ =	sdelay $0x1  }
0x119: {  	v16 =	vadd.f32 v17, v16;
	v17 =	vmul.f32 v56, v20;
	_ =	sdelay $0x1  }
0x11a: {  	v16 =	vadd.f32 v17, v16;
	v17 =	vmul.f32 v58, v57;
	_ =	sdelay $0x1  }
0x11b: {  	v16 =	vadd.f32 v17, v16;
	_ =	sdelay $0x1  }
0x11c: {  	[tilespmem:v13+s17+$0x0] =	vst.idx.msk $0xffff, v16  }
0x11d: {  	v16 =	vld [tilespmem:s22+$0x180]  }
0x11e: {  	v17 =	vld [tilespmem:s22+$0x190]  }
0x11f: {  	v18 =	vld [tilespmem:s21+$0x190]  }
0x120: {  	v19 =	vld [tilespmem:s21+$0x180]  }
0x121: {  	v20 =	vld [tilespmem:s21+$0x1A0]  }
0x122: {  	v59 =	vld [tilespmem:s22+$0x1A0]  }
0x123: {  	v60 =	vld [tilespmem:s21+$0x1B0]  }
0x124: {  	v61 =	vld [tilespmem:s22+$0x1B0]  }
0x125: {  	v17 =	vmul.f32 v17, v18;
	v16 =	vmul.f32 v16, v19;
	_ =	sdelay $0x1  }
0x126: {  	v16 =	vadd.f32 v17, v16;
	v17 =	vmul.f32 v59, v20;
	_ =	sdelay $0x1  }
0x127: {  	v16 =	vadd.f32 v17, v16;
	v17 =	vmul.f32 v61, v60;
	_ =	sdelay $0x1  }
0x128: {  	v16 =	vadd.f32 v17, v16;
	_ =	sdelay $0x1  }
0x129: {  	[tilespmem:v14+s17+$0x0] =	vst.idx.msk $0xffff, v16  }
0x12a: {  	v16 =	vld [tilespmem:s21+$0x1C0]  }
0x12b: {  	v17 =	vld [tilespmem:s22+$0x1C0]  }
0x12c: {  	v18 =	vld [tilespmem:s22+$0x1D0]  }
0x12d: {  	v19 =	vld [tilespmem:s21+$0x1D0]  }
0x12e: {  	v20 =	vld [tilespmem:s21+$0x1E0]  }
0x12f: {  	v62 =	vld [tilespmem:s22+$0x1E0]  }
0x130: {  	v63 =	vmul.f32 v17, v16;
	v16 =	vld [tilespmem:s21+$0x1F0]  }
0x131: {  	v17 =	vld [tilespmem:s22+$0x1F0]  }
0x132: {  	v18 =	vmul.f32 v18, v19;
	_ =	sdelay $0x1  }
0x133: {  	s24 =	simm.s32 $0x0;
	s26 =	simm.s32 $0x40;
	v19 =	vmul.f32 v62, v20;
	v18 =	vadd.f32 v18, v63  }
.LBB2_2:
0x134: {  	p0 =	sne.s32 s26, $0x7C0;
	s21 =	sadd.s32 $0x400, s21;
	s22 =	sadd.s32 $0x400, s22  }
0x135: {  	s29 =	smov.u32 s26;
	s26 =	sadd.s32 $0x40, s26;
	v18 =	vadd.f32 v19, v18;
	v16 =	vmul.f32 v17, v16;
	_ =	sdelay $0x1  }
0x136: {  	v16 =	vadd.f32 v16, v18;
	_ =	sdelay $0x1  }
0x137: {  	s28 =	sshra.s32 s24, $0x2;
	s24 =	smov.u32 s29;
	[tilespmem:v15+s17+$0x0] =	vst.idx.msk $0xffff, v16  }
0x138: {  	v16 =	vld [tilespmem:s28+$0x10400]  }
0x139: {  	v17 =	vld [tilespmem:s28+$0x10600]  }
0x13a: {  	v18 =	vld [tilespmem:$0x10A00]  }
0x13b: {  	v19 =	vld [tilespmem:$0x10A10]  }
0x13c: {  	v20 =	vld [tilespmem:$0x10A20]  }
0x13d: {  	v21 =	vld [tilespmem:$0x10A30]  }
0x13e: {  	v16 =	vadd.f32 v17, v16;
	v17 =	vld [tilespmem:$0x10A40]  }
0x13f: {  	v22 =	vld [tilespmem:$0x10A50]  }
0x140: {  	v16 =	vadd.f32 v18, v16;
	v18 =	vld [tilespmem:$0x10A60]  }
0x141: {  	v23 =	vld [tilespmem:$0x10A70]  }
0x142: {  	v16 =	vadd.f32 v19, v16;
	v19 =	vld [tilespmem:$0x10A80]  }
0x143: {  	v24 =	vld [tilespmem:$0x10A90]  }
0x144: {  	v16 =	vadd.f32 v20, v16;
	v20 =	vld [tilespmem:$0x10AA0]  }
0x145: {  	v25 =	vld [tilespmem:$0x10AB0]  }
0x146: {  	v16 =	vadd.f32 v21, v16;
	v21 =	vld [tilespmem:$0x10AC0]  }
0x147: {  	v26 =	vld [tilespmem:$0x10AD0]  }
0x148: {  	v16 =	vadd.f32 v17, v16;
	v17 =	vld [tilespmem:$0x10AE0]  }
0x149: {  	v27 =	vld [tilespmem:$0x10AF0]  }
0x14a: {  	v16 =	vadd.f32 v22, v16;
	_ =	sdelay $0x1  }
0x14b: {  	v16 =	vadd.f32 v18, v16;
	_ =	sdelay $0x1  }
0x14c: {  	v16 =	vadd.f32 v23, v16;
	_ =	sdelay $0x1  }
0x14d: {  	v16 =	vadd.f32 v19, v16;
	_ =	sdelay $0x1  }
0x14e: {  	v16 =	vadd.f32 v24, v16;
	_ =	sdelay $0x1  }
0x14f: {  	v16 =	vadd.f32 v20, v16;
	_ =	sdelay $0x1  }
0x150: {  	v16 =	vadd.f32 v25, v16;
	_ =	sdelay $0x1  }
0x151: {  	v16 =	vadd.f32 v21, v16;
	_ =	sdelay $0x1  }
0x152: {  	v16 =	vadd.f32 v26, v16;
	_ =	sdelay $0x1  }
0x153: {  	v16 =	vadd.f32 v17, v16;
	_ =	sdelay $0x1  }
0x154: {  	v16 =	vadd.f32 v27, v16;
	_ =	sdelay $0x1  }
0x155: {  	[tilespmem:s28+$0x10800] =	vst v16  }
0x156: {  	v16 =	vld [tilespmem:s21+$0xFFFFFE00]  }
0x157: {  	v17 =	vld [tilespmem:s22+$0xFFFFFE10]  }
0x158: {  	v18 =	vld [tilespmem:s21+$0xFFFFFE10]  }
0x159: {  	v19 =	vld [tilespmem:s22+$0xFFFFFE00]  }
0x15a: {  	v20 =	vld [tilespmem:s22+$0xFFFFFE20]  }
0x15b: {  	v21 =	vld [tilespmem:s21+$0xFFFFFE20]  }
0x15c: {  	v22 =	vld [tilespmem:s22+$0xFFFFFE30]  }
0x15d: {  	v17 =	vmul.f32 v17, v18;
	v18 =	vld [tilespmem:s21+$0xFFFFFE30]  }
0x15e: {  	v16 =	vmul.f32 v19, v16;
	_ =	sdelay $0x1  }
0x15f: {  	v16 =	vadd.f32 v17, v16;
	v17 =	vmul.f32 v20, v21;
	_ =	sdelay $0x1  }
0x160: {  	v16 =	vadd.f32 v17, v16;
	v17 =	vmul.f32 v22, v18;
	_ =	sdelay $0x1  }
0x161: {  	v16 =	vadd.f32 v17, v16;
	_ =	sdelay $0x1  }
0x162: {  	[tilespmem:v0+s17+$0x0] =	vst.idx.msk $0xffff, v16  }
0x163: {  	v16 =	vld [tilespmem:s22+$0xFFFFFE50]  }
0x164: {  	v17 =	vld [tilespmem:s21+$0xFFFFFE40]  }
0x165: {  	v18 =	vld [tilespmem:s21+$0xFFFFFE50]  }
0x166: {  	v19 =	vld [tilespmem:s22+$0xFFFFFE40]  }
0x167: {  	v20 =	vld [tilespmem:s22+$0xFFFFFE60]  }
0x168: {  	v21 =	vld [tilespmem:s21+$0xFFFFFE60]  }
0x169: {  	v22 =	vld [tilespmem:s22+$0xFFFFFE70]  }
0x16a: {  	v16 =	vmul.f32 v16, v18;
	v18 =	vld [tilespmem:s21+$0xFFFFFE70]  }
0x16b: {  	v17 =	vmul.f32 v19, v17;
	_ =	sdelay $0x1  }
0x16c: {  	v16 =	vadd.f32 v16, v17;
	v17 =	vmul.f32 v20, v21;
	_ =	sdelay $0x1  }
0x16d: {  	v16 =	vadd.f32 v17, v16;
	v17 =	vmul.f32 v22, v18;
	_ =	sdelay $0x1  }
0x16e: {  	v16 =	vadd.f32 v17, v16;
	_ =	sdelay $0x1  }
0x16f: {  	[tilespmem:v1+s17+$0x0] =	vst.idx.msk $0xffff, v16  }
0x170: {  	v16 =	vld [tilespmem:s21+$0xFFFFFE80]  }
0x171: {  	v17 =	vld [tilespmem:s22+$0xFFFFFE80]  }
0x172: {  	v18 =	vld [tilespmem:s22+$0xFFFFFE90]  }
0x173: {  	v19 =	vld [tilespmem:s21+$0xFFFFFE90]  }
0x174: {  	v20 =	vld [tilespmem:s22+$0xFFFFFEA0]  }
0x175: {  	v21 =	vld [tilespmem:s21+$0xFFFFFEA0]  }
0x176: {  	v16 =	vmul.f32 v17, v16;
	v17 =	vld [tilespmem:s22+$0xFFFFFEB0]  }
0x177: {  	v22 =	vld [tilespmem:s21+$0xFFFFFEB0]  }
0x178: {  	v18 =	vmul.f32 v18, v19;
	_ =	sdelay $0x1  }
0x179: {  	v16 =	vadd.f32 v18, v16;
	v18 =	vmul.f32 v20, v21;
	_ =	sdelay $0x1  }
0x17a: {  	v16 =	vadd.f32 v18, v16;
	v17 =	vmul.f32 v17, v22;
	_ =	sdelay $0x1  }
0x17b: {  	v16 =	vadd.f32 v17, v16;
	_ =	sdelay $0x1  }
0x17c: {  	[tilespmem:v2+s17+$0x0] =	vst.idx.msk $0xffff, v16  }
0x17d: {  	v16 =	vld [tilespmem:s22+$0xFFFFFEC0]  }
0x17e: {  	v17 =	vld [tilespmem:s21+$0xFFFFFEC0]  }
0x17f: {  	v18 =	vld [tilespmem:s21+$0xFFFFFED0]  }
0x180: {  	v19 =	vld [tilespmem:s22+$0xFFFFFED0]  }
0x181: {  	v20 =	vld [tilespmem:s22+$0xFFFFFEE0]  }
0x182: {  	v21 =	vld [tilespmem:s21+$0xFFFFFEE0]  }
0x183: {  	v16 =	vmul.f32 v16, v17;
	v17 =	vld [tilespmem:s22+$0xFFFFFEF0]  }
0x184: {  	v22 =	vld [tilespmem:s21+$0xFFFFFEF0]  }
0x185: {  	v18 =	vmul.f32 v19, v18;
	_ =	sdelay $0x1  }
0x186: {  	v16 =	vadd.f32 v18, v16;
	v18 =	vmul.f32 v20, v21;
	_ =	sdelay $0x1  }
0x187: {  	v16 =	vadd.f32 v18, v16;
	v17 =	vmul.f32 v17, v22;
	_ =	sdelay $0x1  }
0x188: {  	v16 =	vadd.f32 v17, v16;
	_ =	sdelay $0x1  }
0x189: {  	[tilespmem:v3+s17+$0x0] =	vst.idx.msk $0xffff, v16  }
0x18a: {  	v16 =	vld [tilespmem:s22+$0xFFFFFF10]  }
0x18b: {  	v17 =	vld [tilespmem:s21+$0xFFFFFF00]  }
0x18c: {  	v18 =	vld [tilespmem:s22+$0xFFFFFF00]  }
0x18d: {  	v19 =	vld [tilespmem:s21+$0xFFFFFF10]  }
0x18e: {  	v20 =	vld [tilespmem:s22+$0xFFFFFF20]  }
0x18f: {  	v21 =	vld [tilespmem:s21+$0xFFFFFF20]  }
0x190: {  	v22 =	vld [tilespmem:s22+$0xFFFFFF30]  }
0x191: {  	v17 =	vmul.f32 v18, v17;
	v18 =	vld [tilespmem:s21+$0xFFFFFF30]  }
0x192: {  	v16 =	vmul.f32 v16, v19;
	_ =	sdelay $0x1  }
0x193: {  	v16 =	vadd.f32 v16, v17;
	v17 =	vmul.f32 v20, v21;
	_ =	sdelay $0x1  }
0x194: {  	v16 =	vadd.f32 v17, v16;
	v17 =	vmul.f32 v22, v18;
	_ =	sdelay $0x1  }
0x195: {  	v16 =	vadd.f32 v17, v16;
	_ =	sdelay $0x1  }
0x196: {  	[tilespmem:v4+s17+$0x0] =	vst.idx.msk $0xffff, v16  }
0x197: {  	v16 =	vld [tilespmem:s22+$0xFFFFFF50]  }
0x198: {  	v17 =	vld [tilespmem:s21+$0xFFFFFF40]  }
0x199: {  	v18 =	vld [tilespmem:s22+$0xFFFFFF40]  }
0x19a: {  	v19 =	vld [tilespmem:s21+$0xFFFFFF50]  }
0x19b: {  	v20 =	vld [tilespmem:s22+$0xFFFFFF60]  }
0x19c: {  	v21 =	vld [tilespmem:s21+$0xFFFFFF60]  }
0x19d: {  	v22 =	vld [tilespmem:s22+$0xFFFFFF70]  }
0x19e: {  	v17 =	vmul.f32 v18, v17;
	v18 =	vld [tilespmem:s21+$0xFFFFFF70]  }
0x19f: {  	v16 =	vmul.f32 v16, v19;
	_ =	sdelay $0x1  }
0x1a0: {  	v16 =	vadd.f32 v16, v17;
	v17 =	vmul.f32 v20, v21;
	_ =	sdelay $0x1  }
0x1a1: {  	v16 =	vadd.f32 v17, v16;
	v17 =	vmul.f32 v22, v18;
	_ =	sdelay $0x1  }
0x1a2: {  	v16 =	vadd.f32 v17, v16;
	_ =	sdelay $0x1  }
0x1a3: {  	[tilespmem:v5+s17+$0x0] =	vst.idx.msk $0xffff, v16  }
0x1a4: {  	v16 =	vld [tilespmem:s22+$0xFFFFFF80]  }
0x1a5: {  	v17 =	vld [tilespmem:s22+$0xFFFFFF90]  }
0x1a6: {  	v18 =	vld [tilespmem:s21+$0xFFFFFF90]  }
0x1a7: {  	v19 =	vld [tilespmem:s21+$0xFFFFFF80]  }
0x1a8: {  	v20 =	vld [tilespmem:s22+$0xFFFFFFA0]  }
0x1a9: {  	v21 =	vld [tilespmem:s21+$0xFFFFFFA0]  }
0x1aa: {  	v22 =	vld [tilespmem:s22+$0xFFFFFFB0]  }
0x1ab: {  	v17 =	vmul.f32 v17, v18;
	v18 =	vld [tilespmem:s21+$0xFFFFFFB0]  }
0x1ac: {  	v16 =	vmul.f32 v16, v19;
	_ =	sdelay $0x1  }
0x1ad: {  	v16 =	vadd.f32 v17, v16;
	v17 =	vmul.f32 v20, v21;
	_ =	sdelay $0x1  }
0x1ae: {  	v16 =	vadd.f32 v17, v16;
	v17 =	vmul.f32 v22, v18;
	_ =	sdelay $0x1  }
0x1af: {  	v16 =	vadd.f32 v17, v16;
	_ =	sdelay $0x1  }
0x1b0: {  	[tilespmem:v6+s17+$0x0] =	vst.idx.msk $0xffff, v16  }
0x1b1: {  	v16 =	vld [tilespmem:s22+$0xFFFFFFD0]  }
0x1b2: {  	v17 =	vld [tilespmem:s22+$0xFFFFFFC0]  }
0x1b3: {  	v18 =	vld [tilespmem:s21+$0xFFFFFFC0]  }
0x1b4: {  	v19 =	vld [tilespmem:s21+$0xFFFFFFD0]  }
0x1b5: {  	v20 =	vld [tilespmem:s22+$0xFFFFFFE0]  }
0x1b6: {  	v21 =	vld [tilespmem:s21+$0xFFFFFFE0]  }
0x1b7: {  	v22 =	vld [tilespmem:s22+$0xFFFFFFF0]  }
0x1b8: {  	v17 =	vmul.f32 v17, v18;
	v18 =	vld [tilespmem:s21+$0xFFFFFFF0]  }
0x1b9: {  	v16 =	vmul.f32 v16, v19;
	_ =	sdelay $0x1  }
0x1ba: {  	v16 =	vadd.f32 v16, v17;
	v17 =	vmul.f32 v20, v21;
	_ =	sdelay $0x1  }
0x1bb: {  	v16 =	vadd.f32 v17, v16;
	v17 =	vmul.f32 v22, v18;
	_ =	sdelay $0x1  }
0x1bc: {  	v16 =	vadd.f32 v17, v16;
	_ =	sdelay $0x1  }
0x1bd: {  	[tilespmem:v7+s17+$0x0] =	vst.idx.msk $0xffff, v16  }
0x1be: {  	v16 =	vld [tilespmem:s22+$0x0]  }
0x1bf: {  	v17 =	vld [tilespmem:s22+$0x10]  }
0x1c0: {  	v18 =	vld [tilespmem:s21+$0x0]  }
0x1c1: {  	v19 =	vld [tilespmem:s21+$0x10]  }
0x1c2: {  	v20 =	vld [tilespmem:s22+$0x20]  }
0x1c3: {  	v21 =	vld [tilespmem:s21+$0x20]  }
0x1c4: {  	v22 =	vld [tilespmem:s22+$0x30]  }
0x1c5: {  	v16 =	vmul.f32 v16, v18;
	v18 =	vld [tilespmem:s21+$0x30]  }
0x1c6: {  	v17 =	vmul.f32 v17, v19;
	_ =	sdelay $0x1  }
0x1c7: {  	v16 =	vadd.f32 v17, v16;
	v17 =	vmul.f32 v20, v21;
	_ =	sdelay $0x1  }
0x1c8: {  	v16 =	vadd.f32 v17, v16;
	v17 =	vmul.f32 v22, v18;
	_ =	sdelay $0x1  }
0x1c9: {  	v16 =	vadd.f32 v17, v16;
	_ =	sdelay $0x1  }
0x1ca: {  	[tilespmem:v8+s17+$0x0] =	vst.idx.msk $0xffff, v16  }
0x1cb: {  	v16 =	vld [tilespmem:s22+$0x40]  }
0x1cc: {  	v17 =	vld [tilespmem:s22+$0x50]  }
0x1cd: {  	v18 =	vld [tilespmem:s21+$0x40]  }
0x1ce: {  	v19 =	vld [tilespmem:s21+$0x50]  }
0x1cf: {  	v20 =	vld [tilespmem:s21+$0x60]  }
0x1d0: {  	v21 =	vld [tilespmem:s22+$0x60]  }
0x1d1: {  	v22 =	vld [tilespmem:s21+$0x70]  }
0x1d2: {  	v16 =	vmul.f32 v16, v18;
	v18 =	vld [tilespmem:s22+$0x70]  }
0x1d3: {  	v17 =	vmul.f32 v17, v19;
	_ =	sdelay $0x1  }
0x1d4: {  	v16 =	vadd.f32 v17, v16;
	v17 =	vmul.f32 v21, v20;
	_ =	sdelay $0x1  }
0x1d5: {  	v16 =	vadd.f32 v17, v16;
	v17 =	vmul.f32 v18, v22;
	_ =	sdelay $0x1  }
0x1d6: {  	v16 =	vadd.f32 v17, v16;
	_ =	sdelay $0x1  }
0x1d7: {  	[tilespmem:v9+s17+$0x0] =	vst.idx.msk $0xffff, v16  }
0x1d8: {  	v16 =	vld [tilespmem:s22+$0x80]  }
0x1d9: {  	v17 =	vld [tilespmem:s22+$0x90]  }
0x1da: {  	v18 =	vld [tilespmem:s21+$0x80]  }
0x1db: {  	v19 =	vld [tilespmem:s21+$0x90]  }
0x1dc: {  	v20 =	vld [tilespmem:s21+$0xA0]  }
0x1dd: {  	v21 =	vld [tilespmem:s22+$0xA0]  }
0x1de: {  	v22 =	vld [tilespmem:s21+$0xB0]  }
0x1df: {  	v16 =	vmul.f32 v16, v18;
	v18 =	vld [tilespmem:s22+$0xB0]  }
0x1e0: {  	v17 =	vmul.f32 v17, v19;
	_ =	sdelay $0x1  }
0x1e1: {  	v16 =	vadd.f32 v17, v16;
	v17 =	vmul.f32 v21, v20;
	_ =	sdelay $0x1  }
0x1e2: {  	v16 =	vadd.f32 v17, v16;
	v17 =	vmul.f32 v18, v22;
	_ =	sdelay $0x1  }
0x1e3: {  	v16 =	vadd.f32 v17, v16;
	_ =	sdelay $0x1  }
0x1e4: {  	[tilespmem:v10+s17+$0x0] =	vst.idx.msk $0xffff, v16  }
0x1e5: {  	v16 =	vld [tilespmem:s22+$0xC0]  }
0x1e6: {  	v17 =	vld [tilespmem:s22+$0xD0]  }
0x1e7: {  	v18 =	vld [tilespmem:s21+$0xC0]  }
0x1e8: {  	v19 =	vld [tilespmem:s21+$0xD0]  }
0x1e9: {  	v20 =	vld [tilespmem:s21+$0xE0]  }
0x1ea: {  	v21 =	vld [tilespmem:s22+$0xE0]  }
0x1eb: {  	v22 =	vld [tilespmem:s21+$0xF0]  }
0x1ec: {  	v16 =	vmul.f32 v16, v18;
	v18 =	vld [tilespmem:s22+$0xF0]  }
0x1ed: {  	v17 =	vmul.f32 v17, v19;
	_ =	sdelay $0x1  }
0x1ee: {  	v16 =	vadd.f32 v17, v16;
	v17 =	vmul.f32 v21, v20;
	_ =	sdelay $0x1  }
0x1ef: {  	v16 =	vadd.f32 v17, v16;
	v17 =	vmul.f32 v18, v22;
	_ =	sdelay $0x1  }
0x1f0: {  	v16 =	vadd.f32 v17, v16;
	_ =	sdelay $0x1  }
0x1f1: {  	[tilespmem:v11+s17+$0x0] =	vst.idx.msk $0xffff, v16  }
0x1f2: {  	v16 =	vld [tilespmem:s22+$0x100]  }
0x1f3: {  	v17 =	vld [tilespmem:s22+$0x110]  }
0x1f4: {  	v18 =	vld [tilespmem:s21+$0x100]  }
0x1f5: {  	v19 =	vld [tilespmem:s21+$0x110]  }
0x1f6: {  	v20 =	vld [tilespmem:s21+$0x120]  }
0x1f7: {  	v21 =	vld [tilespmem:s22+$0x120]  }
0x1f8: {  	v22 =	vld [tilespmem:s21+$0x130]  }
0x1f9: {  	v16 =	vmul.f32 v16, v18;
	v18 =	vld [tilespmem:s22+$0x130]  }
0x1fa: {  	v17 =	vmul.f32 v17, v19;
	_ =	sdelay $0x1  }
0x1fb: {  	v16 =	vadd.f32 v17, v16;
	v17 =	vmul.f32 v21, v20;
	_ =	sdelay $0x1  }
0x1fc: {  	v16 =	vadd.f32 v17, v16;
	v17 =	vmul.f32 v18, v22;
	_ =	sdelay $0x1  }
0x1fd: {  	v16 =	vadd.f32 v17, v16;
	_ =	sdelay $0x1  }
0x1fe: {  	[tilespmem:v12+s17+$0x0] =	vst.idx.msk $0xffff, v16  }
0x1ff: {  	v16 =	vld [tilespmem:s22+$0x140]  }
0x200: {  	v17 =	vld [tilespmem:s22+$0x150]  }
0x201: {  	v18 =	vld [tilespmem:s21+$0x140]  }
0x202: {  	v19 =	vld [tilespmem:s21+$0x150]  }
0x203: {  	v20 =	vld [tilespmem:s21+$0x160]  }
0x204: {  	v21 =	vld [tilespmem:s22+$0x160]  }
0x205: {  	v22 =	vld [tilespmem:s21+$0x170]  }
0x206: {  	v16 =	vmul.f32 v16, v18;
	v18 =	vld [tilespmem:s22+$0x170]  }
0x207: {  	v17 =	vmul.f32 v17, v19;
	_ =	sdelay $0x1  }
0x208: {  	v16 =	vadd.f32 v17, v16;
	v17 =	vmul.f32 v21, v20;
	_ =	sdelay $0x1  }
0x209: {  	v16 =	vadd.f32 v17, v16;
	v17 =	vmul.f32 v18, v22;
	_ =	sdelay $0x1  }
0x20a: {  	v16 =	vadd.f32 v17, v16;
	_ =	sdelay $0x1  }
0x20b: {  	[tilespmem:v13+s17+$0x0] =	vst.idx.msk $0xffff, v16  }
0x20c: {  	v16 =	vld [tilespmem:s22+$0x180]  }
0x20d: {  	v17 =	vld [tilespmem:s22+$0x190]  }
0x20e: {  	v18 =	vld [tilespmem:s21+$0x190]  }
0x20f: {  	v19 =	vld [tilespmem:s21+$0x180]  }
0x210: {  	v20 =	vld [tilespmem:s21+$0x1A0]  }
0x211: {  	v21 =	vld [tilespmem:s22+$0x1A0]  }
0x212: {  	v22 =	vld [tilespmem:s21+$0x1B0]  }
0x213: {  	v17 =	vmul.f32 v17, v18;
	v18 =	vld [tilespmem:s22+$0x1B0]  }
0x214: {  	v16 =	vmul.f32 v16, v19;
	_ =	sdelay $0x1  }
0x215: {  	v16 =	vadd.f32 v17, v16;
	v17 =	vmul.f32 v21, v20;
	_ =	sdelay $0x1  }
0x216: {  	v16 =	vadd.f32 v17, v16;
	v17 =	vmul.f32 v18, v22;
	_ =	sdelay $0x1  }
0x217: {  	v16 =	vadd.f32 v17, v16;
	_ =	sdelay $0x1  }
0x218: {  	[tilespmem:v14+s17+$0x0] =	vst.idx.msk $0xffff, v16  }
0x219: {  	v16 =	vld [tilespmem:s21+$0x1C0]  }
0x21a: {  	v17 =	vld [tilespmem:s22+$0x1C0]  }
0x21b: {  	v18 =	vld [tilespmem:s22+$0x1D0]  }
0x21c: {  	v19 =	vld [tilespmem:s21+$0x1D0]  }
0x21d: {  	v20 =	vld [tilespmem:s21+$0x1E0]  }
0x21e: {  	v21 =	vld [tilespmem:s22+$0x1E0]  }
.Ltmp0:
0x21f: {  	v22 =	vmul.f32 v17, v16;
	v16 =	vld [tilespmem:s21+$0x1F0];
	(pc) =	sbr.rel @p0 .LBB2_2-.Ltmp0, $3  }
0x220: {  	v17 =	vld [tilespmem:s22+$0x1F0]  }
0x221: {  	v18 =	vmul.f32 v18, v19;
	_ =	sdelay $0x1  }
0x222: {  	v18 =	vadd.f32 v18, v22;
	v19 =	vmul.f32 v21, v20  }
0x223: {  	_ = 	snop  }
0x224: {  	v18 =	vadd.f32 v19, v18;
	v16 =	vmul.f32 v17, v16;
	_ =	sdelay $0x1  }
0x225: {  	v16 =	vadd.f32 v16, v18;
	_ =	sdelay $0x1  }
0x226: {  	s21 =	sshra.s32 s24, $0x2;
	[tilespmem:v15+s17+$0x0] =	vst.idx.msk $0xffff, v16  }
0x227: {  	v16 =	vld [tilespmem:s21+$0x10400]  }
0x228: {  	v17 =	vld [tilespmem:s21+$0x10600];
	_ =	sdelay $0x1  }
0x229: {  	v53 =	vld [tilespmem:$0x10A00];
	_ =	sdelay $0x1  }
0x22a: {  	v54 =	vld [tilespmem:$0x10A10]  }
0x22b: {  	v16 =	vadd.f32 v17, v16  }
0x22c: {  	v17 =	vld [tilespmem:$0x10A20]  }
0x22d: {  	v16 =	vadd.f32 v53, v16  }
0x22e: {  	v55 =	vld [tilespmem:$0x10A30]  }
0x22f: {  	v16 =	vadd.f32 v54, v16  }
0x230: {  	v56 =	vld [tilespmem:$0x10A40]  }
0x231: {  	v16 =	vadd.f32 v17, v16  }
0x232: {  	v17 =	vld [tilespmem:$0x10A50]  }
0x233: {  	v16 =	vadd.f32 v55, v16  }
0x234: {  	v57 =	vld [tilespmem:$0x10A60]  }
0x235: {  	v16 =	vadd.f32 v56, v16  }
0x236: {  	v58 =	vld [tilespmem:$0x10A70]  }
0x237: {  	v16 =	vadd.f32 v17, v16  }
0x238: {  	v17 =	vld [tilespmem:$0x10A80]  }
0x239: {  	v16 =	vadd.f32 v57, v16  }
0x23a: {  	v59 =	vld [tilespmem:$0x10A90]  }
0x23b: {  	v16 =	vadd.f32 v58, v16  }
0x23c: {  	v60 =	vld [tilespmem:$0x10AA0]  }
0x23d: {  	v16 =	vadd.f32 v17, v16  }
0x23e: {  	v17 =	vld [tilespmem:$0x10AB0]  }
0x23f: {  	v16 =	vadd.f32 v59, v16  }
0x240: {  	v61 =	vld [tilespmem:$0x10AC0]  }
0x241: {  	v16 =	vadd.f32 v60, v16  }
0x242: {  	v62 =	vld [tilespmem:$0x10AD0]  }
0x243: {  	v16 =	vadd.f32 v17, v16  }
0x244: {  	v17 =	vld [tilespmem:$0x10AE0]  }
0x245: {  	v16 =	vadd.f32 v61, v16  }
0x246: {  	v63 =	vld [tilespmem:$0x10AF0]  }
0x247: {  	v16 =	vadd.f32 v62, v16;
	_ =	sdelay $0x1  }
0x248: {  	v16 =	vadd.f32 v17, v16;
	_ =	sdelay $0x1  }
0x249: {  	s20 =	sadd.s32 $0x1, s20;
	v16 =	vadd.f32 v63, v16  }
0x24a: {  	p0 =	sne.s32 s20, s10  }
.Ltmp1:
0x24b: {  	[tilespmem:s21+$0x10800] =	vst v16;
	(pc) =	sbr.rel @p0 .LBB2_1-.Ltmp1, $4  }
0x24c: {  	[hbm4b:s9+s2] =	stream.linear.scatter [tilespmem:s18], [sflag:$0x2], $0x200, $0x38;
	[tilespmem:$0x10B00] =	vst v63  }
0x24d: {  	_ =	swait.ge [sflag:s11], $0x200  }
0x24e: {  	[sflag:s11] =	ssyncset.done $0x0  }
0x24f: {  	[sflag:s11] =	ssyncadd.s32 $0xFFFFFE00  }
0x250: {  	_ =	sfence.sel $0x180000  }
0x251: {  	[bflag:$0x0] =	sbarrier.arrive $0xFFFF  }
0x252: {  	_ =	strace $0x90000047  }
0x253: {  	s0 =	stileid.u32;
	[bflag:$0x2] =	sbarrier.arrive $0xFFFF  }
0x254: {  	p0 =	sne.s32 s0, $0x0;
	s0 =	rddreg [dreg:$0x4]  }
0x255: {  	s0 =	sadd.s32 @!p0 $0x100000, s0  }
0x256: {  	[sflag:s0] =	ssyncadd.tile.s32 @!p0 $0x1;
	_ =	shalt  }
.Lfunc_end2:
_tile_overlayer_lowered:
.L_overlay_start_2:
0x257: {  	(tag) =	ssettag $0x2  }
0x258: {  	s0 =	rddreg [dreg:$0x0];
	s2 =	stileid.u32  }
0x259: {  	s1 =	rddreg [dreg:$0x1];
	p0 =	sne.s32 s2, $0x0  }
0x25a: {  	s3 =	rddreg [dreg:$0x2];
	[bflag:$0x3] =	sbarrier.arrive $0xFFFF;
	s2 =	simm.s32 @!p0 $0x1C02  }
0x25b: {  	[timem:s3], [sflag:s2] =	dma.local @!p0 [hbm:s0], s1  }
0x25c: {  	s0 =	simm.s32 @!p0 $0x2  }
0x25d: {  	_ =	swait.ge @!p0 [sflag:s0], s1  }
0x25e: {  	s1 =	ssub.s32 @!p0 $0x0, s1;
	[sflag:s0] =	ssyncset.done @!p0 $0x0  }
0x25f: {  	[sflag:s0] =	ssyncadd.s32 @!p0 s1  }
0x260: {  	[bflag:$0x3] =	sbarrier.arrive $0xFFFF  }
0x261: {  	_ =	shalt  }

</sc_bundles>
